<compile_context>
chip_gen: v7x
topology: tpu7x:2x2x1
jax: 0.10.2.dev20260603
libtpu: 0.0.44.dev20260713+nightly
codegen_flags: <defaults>
</compile_context>

<pallas_src>
import functools

import jax
import jax.numpy as jnp
from jax import lax
from jax.experimental import pallas as pl
from jax.experimental.pallas import tpu as pltpu
from jax.experimental.pallas import tpu_sc as plsc

BATCH = 4
SEQ_LEN = 2048
VOCAB = 50257
HIDDEN = 768

_info = plsc.get_sparse_core_info()
_NC = _info.num_cores
_NS = _info.num_subcores
NW = _NC * _NS
N = BATCH * SEQ_LEN
PER_W = N // NW
CHUNK = 32
NCHUNK = PER_W // CHUNK
NBUF = 5

_mesh = plsc.VectorSubcoreMesh(core_axis_name="c", subcore_axis_name="s")


W_PER_B = SEQ_LEN // PER_W


@functools.partial(
    pl.kernel,
    mesh=_mesh,
    out_type=jax.ShapeDtypeStruct((BATCH, SEQ_LEN, HIDDEN), jnp.float32),
    scratch_types=[
        pltpu.VMEM((PER_W,), jnp.int32),
        *[pltpu.VMEM((CHUNK, HIDDEN), jnp.float32) for _ in range(NBUF)],
        *[pltpu.SemaphoreType.DMA for _ in range(2 * NBUF)],
    ],
)
def _emb_lookup(ids_hbm, table_hbm, out_hbm, idx_v, *rest):
    bufs = rest[:NBUF]
    gsems = rest[NBUF : 2 * NBUF]
    ssems = rest[2 * NBUF : 3 * NBUF]
    wid = lax.axis_index("c") * _NS + lax.axis_index("s")
    row = wid // W_PER_B
    col = (wid % W_PER_B) * PER_W

    def gather_args(c, b):
        return (
            table_hbm.at[idx_v.at[pl.ds(c * CHUNK, CHUNK)]],
            bufs[b],
            gsems[b],
        )

    def store_args(c, b):
        return (bufs[b], out_hbm.at[row, pl.ds(col + c * CHUNK, CHUNK)], ssems[b])

    LAG = 0
    HALF = PER_W // 2
    pltpu.sync_copy(ids_hbm.at[row, pl.ds(col, HALF)], idx_v.at[pl.ds(0, HALF)])
    nprime = min(NBUF, NCHUNK)
    for b in range(nprime):
        if (b + 1) * CHUNK <= HALF:
            pltpu.async_copy(*gather_args(b, b))
    pltpu.sync_copy(
        ids_hbm.at[row, pl.ds(col + HALF, PER_W - HALF)],
        idx_v.at[pl.ds(HALF, PER_W - HALF)],
    )
    for b in range(nprime):
        if (b + 1) * CHUNK > HALF:
            pltpu.async_copy(*gather_args(b, b))
    for c in range(NCHUNK):
        pltpu.make_async_copy(*gather_args(c, c % NBUF)).wait()
        pltpu.async_copy(*store_args(c, c % NBUF))
        d = c - LAG
        if d >= 0 and d + NBUF < NCHUNK:
            pltpu.make_async_copy(*store_args(d, d % NBUF)).wait()
            pltpu.async_copy(*gather_args(d + NBUF, d % NBUF))
    for c in range(max(0, NCHUNK - NBUF), NCHUNK):
        pltpu.make_async_copy(*store_args(c, c % NBUF)).wait()


def kernel(input_ids, embedding_weight):
    return _emb_lookup(input_ids.astype(jnp.int32), embedding_weight)

# --- scband reference (transcript-rebuilt; emitter-appended) ---
"""Pipeline reference for scband-client-model-9216999817895 (READ-ONLY COPY).

The authoritative reference and input builder live on the scoring server;
editing this copy changes nothing except your own understanding.
"""

import jax, jax.numpy as jnp
import numpy as np

VOCAB_SIZE = 50257
HIDDEN_SIZE = 768
INITIALIZER_RANGE = 0.02
BATCH = 4
SEQ_LEN = 2048


def setup_inputs(seed: int = 0) -> dict:
    key = jax.random.key(seed)
    k_ids, k_emb = jax.random.split(key)
    input_ids = jax.random.randint(k_ids, (BATCH, SEQ_LEN), 0, VOCAB_SIZE, dtype=jnp.int64 if jax.config.jax_enable_x64 else jnp.int32)
    embedding_weight = jax.random.normal(k_emb, (VOCAB_SIZE, HIDDEN_SIZE), dtype=jnp.float32) * INITIALIZER_RANGE
    return {"input_ids": input_ids, "embedding_weight": embedding_weight}


def reference(input_ids, embedding_weight):
    # nn.Embedding forward: gather rows of the table by index
    return jnp.take(embedding_weight, input_ids, axis=0)

if __name__ == "__main__":
    import jax
    _d = setup_inputs()
    print(jax.jit(kernel)(*tuple(_d.values())))

</pallas_src>

<mosaic_0001>
#map = affine_map<(d0, d1) -> (0, 0)>
#map1 = affine_map<(d0, d1) -> (0, 0, 0)>
module attributes {stable_mosaic.version = 14 : i64} {
  func.func @_emb_lookup(%arg0: i32, %arg1: i32, %arg2: memref<4x2048xi32, #tpu.memory_space<hbm>>, %arg3: memref<50257x768xf32, #tpu.memory_space<hbm>>, %arg4: memref<4x2048x768xf32, #tpu.memory_space<hbm>>, %arg5: memref<256xi32, #tpu.memory_space<vmem>>, %arg6: memref<32x768xf32, #tpu.memory_space<vmem>>, %arg7: memref<32x768xf32, #tpu.memory_space<vmem>>, %arg8: memref<32x768xf32, #tpu.memory_space<vmem>>, %arg9: memref<32x768xf32, #tpu.memory_space<vmem>>, %arg10: memref<32x768xf32, #tpu.memory_space<vmem>>, %arg11: memref<!tpu.dma_semaphore, #tpu.memory_space<semaphore_mem>>, %arg12: memref<!tpu.dma_semaphore, #tpu.memory_space<semaphore_mem>>, %arg13: memref<!tpu.dma_semaphore, #tpu.memory_space<semaphore_mem>>, %arg14: memref<!tpu.dma_semaphore, #tpu.memory_space<semaphore_mem>>, %arg15: memref<!tpu.dma_semaphore, #tpu.memory_space<semaphore_mem>>, %arg16: memref<!tpu.dma_semaphore, #tpu.memory_space<semaphore_mem>>, %arg17: memref<!tpu.dma_semaphore, #tpu.memory_space<semaphore_mem>>, %arg18: memref<!tpu.dma_semaphore, #tpu.memory_space<semaphore_mem>>, %arg19: memref<!tpu.dma_semaphore, #tpu.memory_space<semaphore_mem>>, %arg20: memref<!tpu.dma_semaphore, #tpu.memory_space<semaphore_mem>>) attributes {dimension_semantics = [#tpu.dimension_semantics<core_parallel>, #tpu.dimension_semantics<subcore_parallel>], iteration_bounds = array<i64: 2, 16>, scalar_prefetch = 0 : i64, scratch_operands = 16 : i64, tpu.core_type = #tpu.core_type<sc_vector_subcore>, window_params = [{transform_indices = #map}, {transform_indices = #map}, {transform_indices = #map1}]} {
    %mul3A = arith.constant 16 : i32
    %mul3A_0 = arith.muli %arg0, %mul3A : i32
    %add3A = arith.addi %mul3A_0, %arg1 : i32
    %jit3A = arith.constant 8 : i32
    %div3A = arith.divsi %add3A, %jit3A : i32
    %sign3A = arith.constant 0 : i32
    %sign3A_1 = arith.cmpi sgt, %add3A, %sign3A : i32
    %sign3A_2 = arith.extui %sign3A_1 : i1 to i32
    %sign3A_3 = arith.constant 0 : i32
    %sign3A_4 = arith.cmpi slt, %add3A, %sign3A_3 : i32
    %sign3A_5 = arith.extui %sign3A_4 : i1 to i32
    %sign3A_6 = arith.subi %sign3A_2, %sign3A_5 : i32
    %sign3A_7 = arith.constant 0 : i32
    %sign3A_8 = arith.cmpi sgt, %jit3A, %sign3A_7 : i32
    %sign3A_9 = arith.extui %sign3A_8 : i1 to i32
    %sign3A_10 = arith.constant 0 : i32
    %sign3A_11 = arith.cmpi slt, %jit3A, %sign3A_10 : i32
    %sign3A_12 = arith.extui %sign3A_11 : i1 to i32
    %sign3A_13 = arith.subi %sign3A_9, %sign3A_12 : i32
    %ne3A = arith.cmpi ne, %sign3A_6, %sign3A_13 : i32
    %rem3A = arith.remsi %add3A, %jit3A : i32
    %ne3A_14 = arith.constant 0 : i32
    %ne3A_15 = arith.cmpi ne, %rem3A, %ne3A_14 : i32
    %and3A = arith.andi %ne3A, %ne3A_15 : i1
    %sub3A = arith.constant 1 : i32
    %sub3A_16 = arith.subi %div3A, %sub3A : i32
    %select_n3A = arith.select %and3A, %sub3A_16, %div3A : i32
    %jit3A_17 = arith.constant 8 : i32
    %eq3A = arith.constant 0 : i32
    %eq3A_18 = arith.cmpi eq, %jit3A_17, %eq3A : i32
    %jit3A_19 = arith.constant 1 : i32
    %select_n3A_20 = arith.select %eq3A_18, %jit3A_19, %jit3A_17 : i32
    %rem3A_21 = arith.remsi %add3A, %select_n3A_20 : i32
    %ne3A_22 = arith.constant 0 : i32
    %ne3A_23 = arith.cmpi ne, %rem3A_21, %ne3A_22 : i32
    %lt3A = arith.constant 0 : i32
    %lt3A_24 = arith.cmpi slt, %rem3A_21, %lt3A : i32
    %lt3A_25 = arith.constant 0 : i32
    %lt3A_26 = arith.cmpi slt, %select_n3A_20, %lt3A_25 : i32
    %ne3A_27 = arith.xori %lt3A_24, %lt3A_26 : i1
    %and3A_28 = arith.andi %ne3A_27, %ne3A_23 : i1
    %add3A_29 = arith.addi %rem3A_21, %select_n3A_20 : i32
    %select_n3A_30 = arith.select %and3A_28, %add3A_29, %rem3A_21 : i32
    %mul3A_31 = arith.constant 256 : i32
    %mul3A_32 = arith.muli %select_n3A_30, %mul3A_31 : i32
    "tpu.region"() ({
      %run_scoped3A = tpu.sem_alloc : memref<!tpu.dma_semaphore, #tpu.memory_space<semaphore_mem>>
      %dma_start3A_241 = arith.constant 0 : i32
      %dma_start3A_242 = tpu.memref_slice %arg5[%dma_start3A_241] : memref<256xi32, #tpu.memory_space<vmem>> -> memref<128xi32, #tpu.memory_space<vmem>>
      %dma_start3A_243 = tpu.memref_slice %arg2[%select_n3A, %mul3A_32] : memref<4x2048xi32, #tpu.memory_space<hbm>> -> memref<1x128xi32, #tpu.memory_space<hbm>>
      %dma_start3A_244 = tpu.memref_squeeze %dma_start3A_243 : memref<1x128xi32, #tpu.memory_space<hbm>> -> memref<128xi32, #tpu.memory_space<hbm>>
      %dma_start3A_245 = arith.constant 0 : i32
      %dma_start3A_246 = tpu.memref_slice %arg5[%dma_start3A_245] : memref<256xi32, #tpu.memory_space<vmem>> -> memref<128xi32, #tpu.memory_space<vmem>>
      %dma_start3A_247 = tpu.memref_slice %arg2[%select_n3A, %mul3A_32] : memref<4x2048xi32, #tpu.memory_space<hbm>> -> memref<1x128xi32, #tpu.memory_space<hbm>>
      %dma_start3A_248 = tpu.memref_squeeze %dma_start3A_247 : memref<1x128xi32, #tpu.memory_space<hbm>> -> memref<128xi32, #tpu.memory_space<hbm>>
      tpu.enqueue_dma source(%dma_start3A_248 : memref<128xi32, #tpu.memory_space<hbm>>) target(%dma_start3A_246 : memref<128xi32, #tpu.memory_space<vmem>>) target_semaphore(%run_scoped3A : memref<!tpu.dma_semaphore, #tpu.memory_space<semaphore_mem>>)
      %dma_wait3A_249 = arith.constant 0 : i32
      %dma_wait3A_250 = tpu.memref_slice %arg5[%dma_wait3A_249] : memref<256xi32, #tpu.memory_space<vmem>> -> memref<128xi32, #tpu.memory_space<vmem>>
      %dma_wait3A_251 = tpu.memref_slice %arg2[%select_n3A, %mul3A_32] : memref<4x2048xi32, #tpu.memory_space<hbm>> -> memref<1x128xi32, #tpu.memory_space<hbm>>
      %dma_wait3A_252 = tpu.memref_squeeze %dma_wait3A_251 : memref<1x128xi32, #tpu.memory_space<hbm>> -> memref<128xi32, #tpu.memory_space<hbm>>
      %dma_wait3A_253 = arith.constant 0 : i32
      %dma_wait3A_254 = tpu.memref_slice %arg5[%dma_wait3A_253] : memref<256xi32, #tpu.memory_space<vmem>> -> memref<128xi32, #tpu.memory_space<vmem>>
      %dma_wait3A_255 = tpu.memref_slice %arg2[%select_n3A, %mul3A_32] : memref<4x2048xi32, #tpu.memory_space<hbm>> -> memref<1x128xi32, #tpu.memory_space<hbm>>
      %dma_wait3A_256 = tpu.memref_squeeze %dma_wait3A_255 : memref<1x128xi32, #tpu.memory_space<hbm>> -> memref<128xi32, #tpu.memory_space<hbm>>
      tpu.wait_dma2 semaphore(%run_scoped3A : memref<!tpu.dma_semaphore, #tpu.memory_space<semaphore_mem>>) src(%dma_wait3A_256 : memref<128xi32, #tpu.memory_space<hbm>>) dst(%dma_wait3A_254 : memref<128xi32, #tpu.memory_space<vmem>>)
      tpu.yield
    }) : () -> ()
    %dma_start3A = arith.constant 0 : i32
    %dma_start3A_33 = tpu.memref_slice %arg5[%dma_start3A] : memref<256xi32, #tpu.memory_space<vmem>> -> memref<32xi32, #tpu.memory_space<vmem>>
    %dma_start3A_34 = arith.constant 0 : i32
    %dma_start3A_35 = arith.constant 0 : i32
    %dma_start3A_36 = tpu.memref_slice %arg3[%dma_start3A_34, %dma_start3A_35] : memref<50257x768xf32, #tpu.memory_space<hbm>> -> memref<50257x768xf32, #tpu.memory_space<hbm>>
    tpu.enqueue_indirect_dma source(%dma_start3A_36 : memref<50257x768xf32, #tpu.memory_space<hbm>>) target(%arg6 : memref<32x768xf32, #tpu.memory_space<vmem>>) offsets(%dma_start3A_33 : memref<32xi32, #tpu.memory_space<vmem>>) semaphore(%arg11 : memref<!tpu.dma_semaphore, #tpu.memory_space<semaphore_mem>>)
    %dma_start3A_37 = arith.constant 32 : i32
    %dma_start3A_38 = tpu.memref_slice %arg5[%dma_start3A_37] : memref<256xi32, #tpu.memory_space<vmem>> -> memref<32xi32, #tpu.memory_space<vmem>>
    %dma_start3A_39 = arith.constant 0 : i32
    %dma_start3A_40 = arith.constant 0 : i32
    %dma_start3A_41 = tpu.memref_slice %arg3[%dma_start3A_39, %dma_start3A_40] : memref<50257x768xf32, #tpu.memory_space<hbm>> -> memref<50257x768xf32, #tpu.memory_space<hbm>>
    tpu.enqueue_indirect_dma source(%dma_start3A_41 : memref<50257x768xf32, #tpu.memory_space<hbm>>) target(%arg7 : memref<32x768xf32, #tpu.memory_space<vmem>>) offsets(%dma_start3A_38 : memref<32xi32, #tpu.memory_space<vmem>>) semaphore(%arg12 : memref<!tpu.dma_semaphore, #tpu.memory_space<semaphore_mem>>)
    %dma_start3A_42 = arith.constant 64 : i32
    %dma_start3A_43 = tpu.memref_slice %arg5[%dma_start3A_42] : memref<256xi32, #tpu.memory_space<vmem>> -> memref<32xi32, #tpu.memory_space<vmem>>
    %dma_start3A_44 = arith.constant 0 : i32
    %dma_start3A_45 = arith.constant 0 : i32
    %dma_start3A_46 = tpu.memref_slice %arg3[%dma_start3A_44, %dma_start3A_45] : memref<50257x768xf32, #tpu.memory_space<hbm>> -> memref<50257x768xf32, #tpu.memory_space<hbm>>
    tpu.enqueue_indirect_dma source(%dma_start3A_46 : memref<50257x768xf32, #tpu.memory_space<hbm>>) target(%arg8 : memref<32x768xf32, #tpu.memory_space<vmem>>) offsets(%dma_start3A_43 : memref<32xi32, #tpu.memory_space<vmem>>) semaphore(%arg13 : memref<!tpu.dma_semaphore, #tpu.memory_space<semaphore_mem>>)
    %dma_start3A_47 = arith.constant 96 : i32
    %dma_start3A_48 = tpu.memref_slice %arg5[%dma_start3A_47] : memref<256xi32, #tpu.memory_space<vmem>> -> memref<32xi32, #tpu.memory_space<vmem>>
    %dma_start3A_49 = arith.constant 0 : i32
    %dma_start3A_50 = arith.constant 0 : i32
    %dma_start3A_51 = tpu.memref_slice %arg3[%dma_start3A_49, %dma_start3A_50] : memref<50257x768xf32, #tpu.memory_space<hbm>> -> memref<50257x768xf32, #tpu.memory_space<hbm>>
    tpu.enqueue_indirect_dma source(%dma_start3A_51 : memref<50257x768xf32, #tpu.memory_space<hbm>>) target(%arg9 : memref<32x768xf32, #tpu.memory_space<vmem>>) offsets(%dma_start3A_48 : memref<32xi32, #tpu.memory_space<vmem>>) semaphore(%arg14 : memref<!tpu.dma_semaphore, #tpu.memory_space<semaphore_mem>>)
    %add3A_52 = arith.constant 128 : i32
    %add3A_53 = arith.addi %mul3A_32, %add3A_52 : i32
    "tpu.region"() ({
      %run_scoped3A = tpu.sem_alloc : memref<!tpu.dma_semaphore, #tpu.memory_space<semaphore_mem>>
      %dma_start3A_241 = arith.constant 128 : i32
      %dma_start3A_242 = tpu.memref_slice %arg5[%dma_start3A_241] : memref<256xi32, #tpu.memory_space<vmem>> -> memref<128xi32, #tpu.memory_space<vmem>>
      %dma_start3A_243 = tpu.memref_slice %arg2[%select_n3A, %add3A_53] : memref<4x2048xi32, #tpu.memory_space<hbm>> -> memref<1x128xi32, #tpu.memory_space<hbm>>
      %dma_start3A_244 = tpu.memref_squeeze %dma_start3A_243 : memref<1x128xi32, #tpu.memory_space<hbm>> -> memref<128xi32, #tpu.memory_space<hbm>>
      %dma_start3A_245 = arith.constant 128 : i32
      %dma_start3A_246 = tpu.memref_slice %arg5[%dma_start3A_245] : memref<256xi32, #tpu.memory_space<vmem>> -> memref<128xi32, #tpu.memory_space<vmem>>
      %dma_start3A_247 = tpu.memref_slice %arg2[%select_n3A, %add3A_53] : memref<4x2048xi32, #tpu.memory_space<hbm>> -> memref<1x128xi32, #tpu.memory_space<hbm>>
      %dma_start3A_248 = tpu.memref_squeeze %dma_start3A_247 : memref<1x128xi32, #tpu.memory_space<hbm>> -> memref<128xi32, #tpu.memory_space<hbm>>
      tpu.enqueue_dma source(%dma_start3A_248 : memref<128xi32, #tpu.memory_space<hbm>>) target(%dma_start3A_246 : memref<128xi32, #tpu.memory_space<vmem>>) target_semaphore(%run_scoped3A : memref<!tpu.dma_semaphore, #tpu.memory_space<semaphore_mem>>)
      %dma_wait3A_249 = arith.constant 128 : i32
      %dma_wait3A_250 = tpu.memref_slice %arg5[%dma_wait3A_249] : memref<256xi32, #tpu.memory_space<vmem>> -> memref<128xi32, #tpu.memory_space<vmem>>
      %dma_wait3A_251 = tpu.memref_slice %arg2[%select_n3A, %add3A_53] : memref<4x2048xi32, #tpu.memory_space<hbm>> -> memref<1x128xi32, #tpu.memory_space<hbm>>
      %dma_wait3A_252 = tpu.memref_squeeze %dma_wait3A_251 : memref<1x128xi32, #tpu.memory_space<hbm>> -> memref<128xi32, #tpu.memory_space<hbm>>
      %dma_wait3A_253 = arith.constant 128 : i32
      %dma_wait3A_254 = tpu.memref_slice %arg5[%dma_wait3A_253] : memref<256xi32, #tpu.memory_space<vmem>> -> memref<128xi32, #tpu.memory_space<vmem>>
      %dma_wait3A_255 = tpu.memref_slice %arg2[%select_n3A, %add3A_53] : memref<4x2048xi32, #tpu.memory_space<hbm>> -> memref<1x128xi32, #tpu.memory_space<hbm>>
      %dma_wait3A_256 = tpu.memref_squeeze %dma_wait3A_255 : memref<1x128xi32, #tpu.memory_space<hbm>> -> memref<128xi32, #tpu.memory_space<hbm>>
      tpu.wait_dma2 semaphore(%run_scoped3A : memref<!tpu.dma_semaphore, #tpu.memory_space<semaphore_mem>>) src(%dma_wait3A_256 : memref<128xi32, #tpu.memory_space<hbm>>) dst(%dma_wait3A_254 : memref<128xi32, #tpu.memory_space<vmem>>)
      tpu.yield
    }) : () -> ()
    %dma_start3A_54 = arith.constant 128 : i32
    %dma_start3A_55 = tpu.memref_slice %arg5[%dma_start3A_54] : memref<256xi32, #tpu.memory_space<vmem>> -> memref<32xi32, #tpu.memory_space<vmem>>
    %dma_start3A_56 = arith.constant 0 : i32
    %dma_start3A_57 = arith.constant 0 : i32
    %dma_start3A_58 = tpu.memref_slice %arg3[%dma_start3A_56, %dma_start3A_57] : memref<50257x768xf32, #tpu.memory_space<hbm>> -> memref<50257x768xf32, #tpu.memory_space<hbm>>
    tpu.enqueue_indirect_dma source(%dma_start3A_58 : memref<50257x768xf32, #tpu.memory_space<hbm>>) target(%arg10 : memref<32x768xf32, #tpu.memory_space<vmem>>) offsets(%dma_start3A_55 : memref<32xi32, #tpu.memory_space<vmem>>) semaphore(%arg15 : memref<!tpu.dma_semaphore, #tpu.memory_space<semaphore_mem>>)
    %dma_wait3A = arith.constant 0 : i32
    %dma_wait3A_59 = tpu.memref_slice %arg5[%dma_wait3A] : memref<256xi32, #tpu.memory_space<vmem>> -> memref<32xi32, #tpu.memory_space<vmem>>
    %dma_wait3A_60 = arith.constant 0 : i32
    %dma_wait3A_61 = arith.constant 0 : i32
    %dma_wait3A_62 = tpu.memref_slice %arg3[%dma_wait3A_60, %dma_wait3A_61] : memref<50257x768xf32, #tpu.memory_space<hbm>> -> memref<50257x768xf32, #tpu.memory_space<hbm>>
    tpu.wait_indirect_dma semaphore(%arg11 : memref<!tpu.dma_semaphore, #tpu.memory_space<semaphore_mem>>) src(%dma_wait3A_62 : memref<50257x768xf32, #tpu.memory_space<hbm>>) dst(%arg6 : memref<32x768xf32, #tpu.memory_space<vmem>>)
    %add3A_63 = arith.constant 0 : i32
    %add3A_64 = arith.addi %mul3A_32, %add3A_63 : i32
    %dma_start3A_65 = arith.constant 0 : i32
    %dma_start3A_66 = tpu.memref_slice %arg4[%select_n3A, %add3A_64, %dma_start3A_65] : memref<4x2048x768xf32, #tpu.memory_space<hbm>> -> memref<1x32x768xf32, #tpu.memory_space<hbm>>
    %dma_start3A_67 = tpu.memref_squeeze %dma_start3A_66 : memref<1x32x768xf32, #tpu.memory_space<hbm>> -> memref<32x768xf32, #tpu.memory_space<hbm>>
    %dma_start3A_68 = arith.constant 0 : i32
    %dma_start3A_69 = tpu.memref_slice %arg4[%select_n3A, %add3A_64, %dma_start3A_68] : memref<4x2048x768xf32, #tpu.memory_space<hbm>> -> memref<1x32x768xf32, #tpu.memory_space<hbm>>
    %dma_start3A_70 = tpu.memref_squeeze %dma_start3A_69 : memref<1x32x768xf32, #tpu.memory_space<hbm>> -> memref<32x768xf32, #tpu.memory_space<hbm>>
    tpu.enqueue_dma source(%arg6 : memref<32x768xf32, #tpu.memory_space<vmem>>) target(%dma_start3A_70 : memref<32x768xf32, #tpu.memory_space<hbm>>) target_semaphore(%arg16 : memref<!tpu.dma_semaphore, #tpu.memory_space<semaphore_mem>>)
    %add3A_71 = arith.constant 0 : i32
    %add3A_72 = arith.addi %mul3A_32, %add3A_71 : i32
    %dma_wait3A_73 = arith.constant 0 : i32
    %dma_wait3A_74 = tpu.memref_slice %arg4[%select_n3A, %add3A_72, %dma_wait3A_73] : memref<4x2048x768xf32, #tpu.memory_space<hbm>> -> memref<1x32x768xf32, #tpu.memory_space<hbm>>
    %dma_wait3A_75 = tpu.memref_squeeze %dma_wait3A_74 : memref<1x32x768xf32, #tpu.memory_space<hbm>> -> memref<32x768xf32, #tpu.memory_space<hbm>>
    %dma_wait3A_76 = arith.constant 0 : i32
    %dma_wait3A_77 = tpu.memref_slice %arg4[%select_n3A, %add3A_72, %dma_wait3A_76] : memref<4x2048x768xf32, #tpu.memory_space<hbm>> -> memref<1x32x768xf32, #tpu.memory_space<hbm>>
    %dma_wait3A_78 = tpu.memref_squeeze %dma_wait3A_77 : memref<1x32x768xf32, #tpu.memory_space<hbm>> -> memref<32x768xf32, #tpu.memory_space<hbm>>
    tpu.wait_dma2 semaphore(%arg16 : memref<!tpu.dma_semaphore, #tpu.memory_space<semaphore_mem>>) src(%arg6 : memref<32x768xf32, #tpu.memory_space<vmem>>) dst(%dma_wait3A_78 : memref<32x768xf32, #tpu.memory_space<hbm>>)
    %dma_start3A_79 = arith.constant 160 : i32
    %dma_start3A_80 = tpu.memref_slice %arg5[%dma_start3A_79] : memref<256xi32, #tpu.memory_space<vmem>> -> memref<32xi32, #tpu.memory_space<vmem>>
    %dma_start3A_81 = arith.constant 0 : i32
    %dma_start3A_82 = arith.constant 0 : i32
    %dma_start3A_83 = tpu.memref_slice %arg3[%dma_start3A_81, %dma_start3A_82] : memref<50257x768xf32, #tpu.memory_space<hbm>> -> memref<50257x768xf32, #tpu.memory_space<hbm>>
    tpu.enqueue_indirect_dma source(%dma_start3A_83 : memref<50257x768xf32, #tpu.memory_space<hbm>>) target(%arg6 : memref<32x768xf32, #tpu.memory_space<vmem>>) offsets(%dma_start3A_80 : memref<32xi32, #tpu.memory_space<vmem>>) semaphore(%arg11 : memref<!tpu.dma_semaphore, #tpu.memory_space<semaphore_mem>>)
    %dma_wait3A_84 = arith.constant 32 : i32
    %dma_wait3A_85 = tpu.memref_slice %arg5[%dma_wait3A_84] : memref<256xi32, #tpu.memory_space<vmem>> -> memref<32xi32, #tpu.memory_space<vmem>>
    %dma_wait3A_86 = arith.constant 0 : i32
    %dma_wait3A_87 = arith.constant 0 : i32
    %dma_wait3A_88 = tpu.memref_slice %arg3[%dma_wait3A_86, %dma_wait3A_87] : memref<50257x768xf32, #tpu.memory_space<hbm>> -> memref<50257x768xf32, #tpu.memory_space<hbm>>
    tpu.wait_indirect_dma semaphore(%arg12 : memref<!tpu.dma_semaphore, #tpu.memory_space<semaphore_mem>>) src(%dma_wait3A_88 : memref<50257x768xf32, #tpu.memory_space<hbm>>) dst(%arg7 : memref<32x768xf32, #tpu.memory_space<vmem>>)
    %add3A_89 = arith.constant 32 : i32
    %add3A_90 = arith.addi %mul3A_32, %add3A_89 : i32
    %dma_start3A_91 = arith.constant 0 : i32
    %dma_start3A_92 = tpu.memref_slice %arg4[%select_n3A, %add3A_90, %dma_start3A_91] : memref<4x2048x768xf32, #tpu.memory_space<hbm>> -> memref<1x32x768xf32, #tpu.memory_space<hbm>>
    %dma_start3A_93 = tpu.memref_squeeze %dma_start3A_92 : memref<1x32x768xf32, #tpu.memory_space<hbm>> -> memref<32x768xf32, #tpu.memory_space<hbm>>
    %dma_start3A_94 = arith.constant 0 : i32
    %dma_start3A_95 = tpu.memref_slice %arg4[%select_n3A, %add3A_90, %dma_start3A_94] : memref<4x2048x768xf32, #tpu.memory_space<hbm>> -> memref<1x32x768xf32, #tpu.memory_space<hbm>>
    %dma_start3A_96 = tpu.memref_squeeze %dma_start3A_95 : memref<1x32x768xf32, #tpu.memory_space<hbm>> -> memref<32x768xf32, #tpu.memory_space<hbm>>
    tpu.enqueue_dma source(%arg7 : memref<32x768xf32, #tpu.memory_space<vmem>>) target(%dma_start3A_96 : memref<32x768xf32, #tpu.memory_space<hbm>>) target_semaphore(%arg17 : memref<!tpu.dma_semaphore, #tpu.memory_space<semaphore_mem>>)
    %add3A_97 = arith.constant 32 : i32
    %add3A_98 = arith.addi %mul3A_32, %add3A_97 : i32
    %dma_wait3A_99 = arith.constant 0 : i32
    %dma_wait3A_100 = tpu.memref_slice %arg4[%select_n3A, %add3A_98, %dma_wait3A_99] : memref<4x2048x768xf32, #tpu.memory_space<hbm>> -> memref<1x32x768xf32, #tpu.memory_space<hbm>>
    %dma_wait3A_101 = tpu.memref_squeeze %dma_wait3A_100 : memref<1x32x768xf32, #tpu.memory_space<hbm>> -> memref<32x768xf32, #tpu.memory_space<hbm>>
    %dma_wait3A_102 = arith.constant 0 : i32
    %dma_wait3A_103 = tpu.memref_slice %arg4[%select_n3A, %add3A_98, %dma_wait3A_102] : memref<4x2048x768xf32, #tpu.memory_space<hbm>> -> memref<1x32x768xf32, #tpu.memory_space<hbm>>
    %dma_wait3A_104 = tpu.memref_squeeze %dma_wait3A_103 : memref<1x32x768xf32, #tpu.memory_space<hbm>> -> memref<32x768xf32, #tpu.memory_space<hbm>>
    tpu.wait_dma2 semaphore(%arg17 : memref<!tpu.dma_semaphore, #tpu.memory_space<semaphore_mem>>) src(%arg7 : memref<32x768xf32, #tpu.memory_space<vmem>>) dst(%dma_wait3A_104 : memref<32x768xf32, #tpu.memory_space<hbm>>)
    %dma_start3A_105 = arith.constant 192 : i32
    %dma_start3A_106 = tpu.memref_slice %arg5[%dma_start3A_105] : memref<256xi32, #tpu.memory_space<vmem>> -> memref<32xi32, #tpu.memory_space<vmem>>
    %dma_start3A_107 = arith.constant 0 : i32
    %dma_start3A_108 = arith.constant 0 : i32
    %dma_start3A_109 = tpu.memref_slice %arg3[%dma_start3A_107, %dma_start3A_108] : memref<50257x768xf32, #tpu.memory_space<hbm>> -> memref<50257x768xf32, #tpu.memory_space<hbm>>
    tpu.enqueue_indirect_dma source(%dma_start3A_109 : memref<50257x768xf32, #tpu.memory_space<hbm>>) target(%arg7 : memref<32x768xf32, #tpu.memory_space<vmem>>) offsets(%dma_start3A_106 : memref<32xi32, #tpu.memory_space<vmem>>) semaphore(%arg12 : memref<!tpu.dma_semaphore, #tpu.memory_space<semaphore_mem>>)
    %dma_wait3A_110 = arith.constant 64 : i32
    %dma_wait3A_111 = tpu.memref_slice %arg5[%dma_wait3A_110] : memref<256xi32, #tpu.memory_space<vmem>> -> memref<32xi32, #tpu.memory_space<vmem>>
    %dma_wait3A_112 = arith.constant 0 : i32
    %dma_wait3A_113 = arith.constant 0 : i32
    %dma_wait3A_114 = tpu.memref_slice %arg3[%dma_wait3A_112, %dma_wait3A_113] : memref<50257x768xf32, #tpu.memory_space<hbm>> -> memref<50257x768xf32, #tpu.memory_space<hbm>>
    tpu.wait_indirect_dma semaphore(%arg13 : memref<!tpu.dma_semaphore, #tpu.memory_space<semaphore_mem>>) src(%dma_wait3A_114 : memref<50257x768xf32, #tpu.memory_space<hbm>>) dst(%arg8 : memref<32x768xf32, #tpu.memory_space<vmem>>)
    %add3A_115 = arith.constant 64 : i32
    %add3A_116 = arith.addi %mul3A_32, %add3A_115 : i32
    %dma_start3A_117 = arith.constant 0 : i32
    %dma_start3A_118 = tpu.memref_slice %arg4[%select_n3A, %add3A_116, %dma_start3A_117] : memref<4x2048x768xf32, #tpu.memory_space<hbm>> -> memref<1x32x768xf32, #tpu.memory_space<hbm>>
    %dma_start3A_119 = tpu.memref_squeeze %dma_start3A_118 : memref<1x32x768xf32, #tpu.memory_space<hbm>> -> memref<32x768xf32, #tpu.memory_space<hbm>>
    %dma_start3A_120 = arith.constant 0 : i32
    %dma_start3A_121 = tpu.memref_slice %arg4[%select_n3A, %add3A_116, %dma_start3A_120] : memref<4x2048x768xf32, #tpu.memory_space<hbm>> -> memref<1x32x768xf32, #tpu.memory_space<hbm>>
    %dma_start3A_122 = tpu.memref_squeeze %dma_start3A_121 : memref<1x32x768xf32, #tpu.memory_space<hbm>> -> memref<32x768xf32, #tpu.memory_space<hbm>>
    tpu.enqueue_dma source(%arg8 : memref<32x768xf32, #tpu.memory_space<vmem>>) target(%dma_start3A_122 : memref<32x768xf32, #tpu.memory_space<hbm>>) target_semaphore(%arg18 : memref<!tpu.dma_semaphore, #tpu.memory_space<semaphore_mem>>)
    %add3A_123 = arith.constant 64 : i32
    %add3A_124 = arith.addi %mul3A_32, %add3A_123 : i32
    %dma_wait3A_125 = arith.constant 0 : i32
    %dma_wait3A_126 = tpu.memref_slice %arg4[%select_n3A, %add3A_124, %dma_wait3A_125] : memref<4x2048x768xf32, #tpu.memory_space<hbm>> -> memref<1x32x768xf32, #tpu.memory_space<hbm>>
    %dma_wait3A_127 = tpu.memref_squeeze %dma_wait3A_126 : memref<1x32x768xf32, #tpu.memory_space<hbm>> -> memref<32x768xf32, #tpu.memory_space<hbm>>
    %dma_wait3A_128 = arith.constant 0 : i32
    %dma_wait3A_129 = tpu.memref_slice %arg4[%select_n3A, %add3A_124, %dma_wait3A_128] : memref<4x2048x768xf32, #tpu.memory_space<hbm>> -> memref<1x32x768xf32, #tpu.memory_space<hbm>>
    %dma_wait3A_130 = tpu.memref_squeeze %dma_wait3A_129 : memref<1x32x768xf32, #tpu.memory_space<hbm>> -> memref<32x768xf32, #tpu.memory_space<hbm>>
    tpu.wait_dma2 semaphore(%arg18 : memref<!tpu.dma_semaphore, #tpu.memory_space<semaphore_mem>>) src(%arg8 : memref<32x768xf32, #tpu.memory_space<vmem>>) dst(%dma_wait3A_130 : memref<32x768xf32, #tpu.memory_space<hbm>>)
    %dma_start3A_131 = arith.constant 224 : i32
    %dma_start3A_132 = tpu.memref_slice %arg5[%dma_start3A_131] : memref<256xi32, #tpu.memory_space<vmem>> -> memref<32xi32, #tpu.memory_space<vmem>>
    %dma_start3A_133 = arith.constant 0 : i32
    %dma_start3A_134 = arith.constant 0 : i32
    %dma_start3A_135 = tpu.memref_slice %arg3[%dma_start3A_133, %dma_start3A_134] : memref<50257x768xf32, #tpu.memory_space<hbm>> -> memref<50257x768xf32, #tpu.memory_space<hbm>>
    tpu.enqueue_indirect_dma source(%dma_start3A_135 : memref<50257x768xf32, #tpu.memory_space<hbm>>) target(%arg8 : memref<32x768xf32, #tpu.memory_space<vmem>>) offsets(%dma_start3A_132 : memref<32xi32, #tpu.memory_space<vmem>>) semaphore(%arg13 : memref<!tpu.dma_semaphore, #tpu.memory_space<semaphore_mem>>)
    %dma_wait3A_136 = arith.constant 96 : i32
    %dma_wait3A_137 = tpu.memref_slice %arg5[%dma_wait3A_136] : memref<256xi32, #tpu.memory_space<vmem>> -> memref<32xi32, #tpu.memory_space<vmem>>
    %dma_wait3A_138 = arith.constant 0 : i32
    %dma_wait3A_139 = arith.constant 0 : i32
    %dma_wait3A_140 = tpu.memref_slice %arg3[%dma_wait3A_138, %dma_wait3A_139] : memref<50257x768xf32, #tpu.memory_space<hbm>> -> memref<50257x768xf32, #tpu.memory_space<hbm>>
    tpu.wait_indirect_dma semaphore(%arg14 : memref<!tpu.dma_semaphore, #tpu.memory_space<semaphore_mem>>) src(%dma_wait3A_140 : memref<50257x768xf32, #tpu.memory_space<hbm>>) dst(%arg9 : memref<32x768xf32, #tpu.memory_space<vmem>>)
    %add3A_141 = arith.constant 96 : i32
    %add3A_142 = arith.addi %mul3A_32, %add3A_141 : i32
    %dma_start3A_143 = arith.constant 0 : i32
    %dma_start3A_144 = tpu.memref_slice %arg4[%select_n3A, %add3A_142, %dma_start3A_143] : memref<4x2048x768xf32, #tpu.memory_space<hbm>> -> memref<1x32x768xf32, #tpu.memory_space<hbm>>
    %dma_start3A_145 = tpu.memref_squeeze %dma_start3A_144 : memref<1x32x768xf32, #tpu.memory_space<hbm>> -> memref<32x768xf32, #tpu.memory_space<hbm>>
    %dma_start3A_146 = arith.constant 0 : i32
    %dma_start3A_147 = tpu.memref_slice %arg4[%select_n3A, %add3A_142, %dma_start3A_146] : memref<4x2048x768xf32, #tpu.memory_space<hbm>> -> memref<1x32x768xf32, #tpu.memory_space<hbm>>
    %dma_start3A_148 = tpu.memref_squeeze %dma_start3A_147 : memref<1x32x768xf32, #tpu.memory_space<hbm>> -> memref<32x768xf32, #tpu.memory_space<hbm>>
    tpu.enqueue_dma source(%arg9 : memref<32x768xf32, #tpu.memory_space<vmem>>) target(%dma_start3A_148 : memref<32x768xf32, #tpu.memory_space<hbm>>) target_semaphore(%arg19 : memref<!tpu.dma_semaphore, #tpu.memory_space<semaphore_mem>>)
    %dma_wait3A_149 = arith.constant 128 : i32
    %dma_wait3A_150 = tpu.memref_slice %arg5[%dma_wait3A_149] : memref<256xi32, #tpu.memory_space<vmem>> -> memref<32xi32, #tpu.memory_space<vmem>>
    %dma_wait3A_151 = arith.constant 0 : i32
    %dma_wait3A_152 = arith.constant 0 : i32
    %dma_wait3A_153 = tpu.memref_slice %arg3[%dma_wait3A_151, %dma_wait3A_152] : memref<50257x768xf32, #tpu.memory_space<hbm>> -> memref<50257x768xf32, #tpu.memory_space<hbm>>
    tpu.wait_indirect_dma semaphore(%arg15 : memref<!tpu.dma_semaphore, #tpu.memory_space<semaphore_mem>>) src(%dma_wait3A_153 : memref<50257x768xf32, #tpu.memory_space<hbm>>) dst(%arg10 : memref<32x768xf32, #tpu.memory_space<vmem>>)
    %add3A_154 = arith.constant 128 : i32
    %add3A_155 = arith.addi %mul3A_32, %add3A_154 : i32
    %dma_start3A_156 = arith.constant 0 : i32
    %dma_start3A_157 = tpu.memref_slice %arg4[%select_n3A, %add3A_155, %dma_start3A_156] : memref<4x2048x768xf32, #tpu.memory_space<hbm>> -> memref<1x32x768xf32, #tpu.memory_space<hbm>>
    %dma_start3A_158 = tpu.memref_squeeze %dma_start3A_157 : memref<1x32x768xf32, #tpu.memory_space<hbm>> -> memref<32x768xf32, #tpu.memory_space<hbm>>
    %dma_start3A_159 = arith.constant 0 : i32
    %dma_start3A_160 = tpu.memref_slice %arg4[%select_n3A, %add3A_155, %dma_start3A_159] : memref<4x2048x768xf32, #tpu.memory_space<hbm>> -> memref<1x32x768xf32, #tpu.memory_space<hbm>>
    %dma_start3A_161 = tpu.memref_squeeze %dma_start3A_160 : memref<1x32x768xf32, #tpu.memory_space<hbm>> -> memref<32x768xf32, #tpu.memory_space<hbm>>
    tpu.enqueue_dma source(%arg10 : memref<32x768xf32, #tpu.memory_space<vmem>>) target(%dma_start3A_161 : memref<32x768xf32, #tpu.memory_space<hbm>>) target_semaphore(%arg20 : memref<!tpu.dma_semaphore, #tpu.memory_space<semaphore_mem>>)
    %dma_wait3A_162 = arith.constant 160 : i32
    %dma_wait3A_163 = tpu.memref_slice %arg5[%dma_wait3A_162] : memref<256xi32, #tpu.memory_space<vmem>> -> memref<32xi32, #tpu.memory_space<vmem>>
    %dma_wait3A_164 = arith.constant 0 : i32
    %dma_wait3A_165 = arith.constant 0 : i32
    %dma_wait3A_166 = tpu.memref_slice %arg3[%dma_wait3A_164, %dma_wait3A_165] : memref<50257x768xf32, #tpu.memory_space<hbm>> -> memref<50257x768xf32, #tpu.memory_space<hbm>>
    tpu.wait_indirect_dma semaphore(%arg11 : memref<!tpu.dma_semaphore, #tpu.memory_space<semaphore_mem>>) src(%dma_wait3A_166 : memref<50257x768xf32, #tpu.memory_space<hbm>>) dst(%arg6 : memref<32x768xf32, #tpu.memory_space<vmem>>)
    %add3A_167 = arith.constant 160 : i32
    %add3A_168 = arith.addi %mul3A_32, %add3A_167 : i32
    %dma_start3A_169 = arith.constant 0 : i32
    %dma_start3A_170 = tpu.memref_slice %arg4[%select_n3A, %add3A_168, %dma_start3A_169] : memref<4x2048x768xf32, #tpu.memory_space<hbm>> -> memref<1x32x768xf32, #tpu.memory_space<hbm>>
    %dma_start3A_171 = tpu.memref_squeeze %dma_start3A_170 : memref<1x32x768xf32, #tpu.memory_space<hbm>> -> memref<32x768xf32, #tpu.memory_space<hbm>>
    %dma_start3A_172 = arith.constant 0 : i32
    %dma_start3A_173 = tpu.memref_slice %arg4[%select_n3A, %add3A_168, %dma_start3A_172] : memref<4x2048x768xf32, #tpu.memory_space<hbm>> -> memref<1x32x768xf32, #tpu.memory_space<hbm>>
    %dma_start3A_174 = tpu.memref_squeeze %dma_start3A_173 : memref<1x32x768xf32, #tpu.memory_space<hbm>> -> memref<32x768xf32, #tpu.memory_space<hbm>>
    tpu.enqueue_dma source(%arg6 : memref<32x768xf32, #tpu.memory_space<vmem>>) target(%dma_start3A_174 : memref<32x768xf32, #tpu.memory_space<hbm>>) target_semaphore(%arg16 : memref<!tpu.dma_semaphore, #tpu.memory_space<semaphore_mem>>)
    %dma_wait3A_175 = arith.constant 192 : i32
    %dma_wait3A_176 = tpu.memref_slice %arg5[%dma_wait3A_175] : memref<256xi32, #tpu.memory_space<vmem>> -> memref<32xi32, #tpu.memory_space<vmem>>
    %dma_wait3A_177 = arith.constant 0 : i32
    %dma_wait3A_178 = arith.constant 0 : i32
    %dma_wait3A_179 = tpu.memref_slice %arg3[%dma_wait3A_177, %dma_wait3A_178] : memref<50257x768xf32, #tpu.memory_space<hbm>> -> memref<50257x768xf32, #tpu.memory_space<hbm>>
    tpu.wait_indirect_dma semaphore(%arg12 : memref<!tpu.dma_semaphore, #tpu.memory_space<semaphore_mem>>) src(%dma_wait3A_179 : memref<50257x768xf32, #tpu.memory_space<hbm>>) dst(%arg7 : memref<32x768xf32, #tpu.memory_space<vmem>>)
    %add3A_180 = arith.constant 192 : i32
    %add3A_181 = arith.addi %mul3A_32, %add3A_180 : i32
    %dma_start3A_182 = arith.constant 0 : i32
    %dma_start3A_183 = tpu.memref_slice %arg4[%select_n3A, %add3A_181, %dma_start3A_182] : memref<4x2048x768xf32, #tpu.memory_space<hbm>> -> memref<1x32x768xf32, #tpu.memory_space<hbm>>
    %dma_start3A_184 = tpu.memref_squeeze %dma_start3A_183 : memref<1x32x768xf32, #tpu.memory_space<hbm>> -> memref<32x768xf32, #tpu.memory_space<hbm>>
    %dma_start3A_185 = arith.constant 0 : i32
    %dma_start3A_186 = tpu.memref_slice %arg4[%select_n3A, %add3A_181, %dma_start3A_185] : memref<4x2048x768xf32, #tpu.memory_space<hbm>> -> memref<1x32x768xf32, #tpu.memory_space<hbm>>
    %dma_start3A_187 = tpu.memref_squeeze %dma_start3A_186 : memref<1x32x768xf32, #tpu.memory_space<hbm>> -> memref<32x768xf32, #tpu.memory_space<hbm>>
    tpu.enqueue_dma source(%arg7 : memref<32x768xf32, #tpu.memory_space<vmem>>) target(%dma_start3A_187 : memref<32x768xf32, #tpu.memory_space<hbm>>) target_semaphore(%arg17 : memref<!tpu.dma_semaphore, #tpu.memory_space<semaphore_mem>>)
    %dma_wait3A_188 = arith.constant 224 : i32
    %dma_wait3A_189 = tpu.memref_slice %arg5[%dma_wait3A_188] : memref<256xi32, #tpu.memory_space<vmem>> -> memref<32xi32, #tpu.memory_space<vmem>>
    %dma_wait3A_190 = arith.constant 0 : i32
    %dma_wait3A_191 = arith.constant 0 : i32
    %dma_wait3A_192 = tpu.memref_slice %arg3[%dma_wait3A_190, %dma_wait3A_191] : memref<50257x768xf32, #tpu.memory_space<hbm>> -> memref<50257x768xf32, #tpu.memory_space<hbm>>
    tpu.wait_indirect_dma semaphore(%arg13 : memref<!tpu.dma_semaphore, #tpu.memory_space<semaphore_mem>>) src(%dma_wait3A_192 : memref<50257x768xf32, #tpu.memory_space<hbm>>) dst(%arg8 : memref<32x768xf32, #tpu.memory_space<vmem>>)
    %add3A_193 = arith.constant 224 : i32
    %add3A_194 = arith.addi %mul3A_32, %add3A_193 : i32
    %dma_start3A_195 = arith.constant 0 : i32
    %dma_start3A_196 = tpu.memref_slice %arg4[%select_n3A, %add3A_194, %dma_start3A_195] : memref<4x2048x768xf32, #tpu.memory_space<hbm>> -> memref<1x32x768xf32, #tpu.memory_space<hbm>>
    %dma_start3A_197 = tpu.memref_squeeze %dma_start3A_196 : memref<1x32x768xf32, #tpu.memory_space<hbm>> -> memref<32x768xf32, #tpu.memory_space<hbm>>
    %dma_start3A_198 = arith.constant 0 : i32
    %dma_start3A_199 = tpu.memref_slice %arg4[%select_n3A, %add3A_194, %dma_start3A_198] : memref<4x2048x768xf32, #tpu.memory_space<hbm>> -> memref<1x32x768xf32, #tpu.memory_space<hbm>>
    %dma_start3A_200 = tpu.memref_squeeze %dma_start3A_199 : memref<1x32x768xf32, #tpu.memory_space<hbm>> -> memref<32x768xf32, #tpu.memory_space<hbm>>
    tpu.enqueue_dma source(%arg8 : memref<32x768xf32, #tpu.memory_space<vmem>>) target(%dma_start3A_200 : memref<32x768xf32, #tpu.memory_space<hbm>>) target_semaphore(%arg18 : memref<!tpu.dma_semaphore, #tpu.memory_space<semaphore_mem>>)
    %add3A_201 = arith.constant 96 : i32
    %add3A_202 = arith.addi %mul3A_32, %add3A_201 : i32
    %dma_wait3A_203 = arith.constant 0 : i32
    %dma_wait3A_204 = tpu.memref_slice %arg4[%select_n3A, %add3A_202, %dma_wait3A_203] : memref<4x2048x768xf32, #tpu.memory_space<hbm>> -> memref<1x32x768xf32, #tpu.memory_space<hbm>>
    %dma_wait3A_205 = tpu.memref_squeeze %dma_wait3A_204 : memref<1x32x768xf32, #tpu.memory_space<hbm>> -> memref<32x768xf32, #tpu.memory_space<hbm>>
    %dma_wait3A_206 = arith.constant 0 : i32
    %dma_wait3A_207 = tpu.memref_slice %arg4[%select_n3A, %add3A_202, %dma_wait3A_206] : memref<4x2048x768xf32, #tpu.memory_space<hbm>> -> memref<1x32x768xf32, #tpu.memory_space<hbm>>
    %dma_wait3A_208 = tpu.memref_squeeze %dma_wait3A_207 : memref<1x32x768xf32, #tpu.memory_space<hbm>> -> memref<32x768xf32, #tpu.memory_space<hbm>>
    tpu.wait_dma2 semaphore(%arg19 : memref<!tpu.dma_semaphore, #tpu.memory_space<semaphore_mem>>) src(%arg9 : memref<32x768xf32, #tpu.memory_space<vmem>>) dst(%dma_wait3A_208 : memref<32x768xf32, #tpu.memory_space<hbm>>)
    %add3A_209 = arith.constant 128 : i32
    %add3A_210 = arith.addi %mul3A_32, %add3A_209 : i32
    %dma_wait3A_211 = arith.constant 0 : i32
    %dma_wait3A_212 = tpu.memref_slice %arg4[%select_n3A, %add3A_210, %dma_wait3A_211] : memref<4x2048x768xf32, #tpu.memory_space<hbm>> -> memref<1x32x768xf32, #tpu.memory_space<hbm>>
    %dma_wait3A_213 = tpu.memref_squeeze %dma_wait3A_212 : memref<1x32x768xf32, #tpu.memory_space<hbm>> -> memref<32x768xf32, #tpu.memory_space<hbm>>
    %dma_wait3A_214 = arith.constant 0 : i32
    %dma_wait3A_215 = tpu.memref_slice %arg4[%select_n3A, %add3A_210, %dma_wait3A_214] : memref<4x2048x768xf32, #tpu.memory_space<hbm>> -> memref<1x32x768xf32, #tpu.memory_space<hbm>>
    %dma_wait3A_216 = tpu.memref_squeeze %dma_wait3A_215 : memref<1x32x768xf32, #tpu.memory_space<hbm>> -> memref<32x768xf32, #tpu.memory_space<hbm>>
    tpu.wait_dma2 semaphore(%arg20 : memref<!tpu.dma_semaphore, #tpu.memory_space<semaphore_mem>>) src(%arg10 : memref<32x768xf32, #tpu.memory_space<vmem>>) dst(%dma_wait3A_216 : memref<32x768xf32, #tpu.memory_space<hbm>>)
    %add3A_217 = arith.constant 160 : i32
    %add3A_218 = arith.addi %mul3A_32, %add3A_217 : i32
    %dma_wait3A_219 = arith.constant 0 : i32
    %dma_wait3A_220 = tpu.memref_slice %arg4[%select_n3A, %add3A_218, %dma_wait3A_219] : memref<4x2048x768xf32, #tpu.memory_space<hbm>> -> memref<1x32x768xf32, #tpu.memory_space<hbm>>
    %dma_wait3A_221 = tpu.memref_squeeze %dma_wait3A_220 : memref<1x32x768xf32, #tpu.memory_space<hbm>> -> memref<32x768xf32, #tpu.memory_space<hbm>>
    %dma_wait3A_222 = arith.constant 0 : i32
    %dma_wait3A_223 = tpu.memref_slice %arg4[%select_n3A, %add3A_218, %dma_wait3A_222] : memref<4x2048x768xf32, #tpu.memory_space<hbm>> -> memref<1x32x768xf32, #tpu.memory_space<hbm>>
    %dma_wait3A_224 = tpu.memref_squeeze %dma_wait3A_223 : memref<1x32x768xf32, #tpu.memory_space<hbm>> -> memref<32x768xf32, #tpu.memory_space<hbm>>
    tpu.wait_dma2 semaphore(%arg16 : memref<!tpu.dma_semaphore, #tpu.memory_space<semaphore_mem>>) src(%arg6 : memref<32x768xf32, #tpu.memory_space<vmem>>) dst(%dma_wait3A_224 : memref<32x768xf32, #tpu.memory_space<hbm>>)
    %add3A_225 = arith.constant 192 : i32
    %add3A_226 = arith.addi %mul3A_32, %add3A_225 : i32
    %dma_wait3A_227 = arith.constant 0 : i32
    %dma_wait3A_228 = tpu.memref_slice %arg4[%select_n3A, %add3A_226, %dma_wait3A_227] : memref<4x2048x768xf32, #tpu.memory_space<hbm>> -> memref<1x32x768xf32, #tpu.memory_space<hbm>>
    %dma_wait3A_229 = tpu.memref_squeeze %dma_wait3A_228 : memref<1x32x768xf32, #tpu.memory_space<hbm>> -> memref<32x768xf32, #tpu.memory_space<hbm>>
    %dma_wait3A_230 = arith.constant 0 : i32
    %dma_wait3A_231 = tpu.memref_slice %arg4[%select_n3A, %add3A_226, %dma_wait3A_230] : memref<4x2048x768xf32, #tpu.memory_space<hbm>> -> memref<1x32x768xf32, #tpu.memory_space<hbm>>
    %dma_wait3A_232 = tpu.memref_squeeze %dma_wait3A_231 : memref<1x32x768xf32, #tpu.memory_space<hbm>> -> memref<32x768xf32, #tpu.memory_space<hbm>>
    tpu.wait_dma2 semaphore(%arg17 : memref<!tpu.dma_semaphore, #tpu.memory_space<semaphore_mem>>) src(%arg7 : memref<32x768xf32, #tpu.memory_space<vmem>>) dst(%dma_wait3A_232 : memref<32x768xf32, #tpu.memory_space<hbm>>)
    %add3A_233 = arith.constant 224 : i32
    %add3A_234 = arith.addi %mul3A_32, %add3A_233 : i32
    %dma_wait3A_235 = arith.constant 0 : i32
    %dma_wait3A_236 = tpu.memref_slice %arg4[%select_n3A, %add3A_234, %dma_wait3A_235] : memref<4x2048x768xf32, #tpu.memory_space<hbm>> -> memref<1x32x768xf32, #tpu.memory_space<hbm>>
    %dma_wait3A_237 = tpu.memref_squeeze %dma_wait3A_236 : memref<1x32x768xf32, #tpu.memory_space<hbm>> -> memref<32x768xf32, #tpu.memory_space<hbm>>
    %dma_wait3A_238 = arith.constant 0 : i32
    %dma_wait3A_239 = tpu.memref_slice %arg4[%select_n3A, %add3A_234, %dma_wait3A_238] : memref<4x2048x768xf32, #tpu.memory_space<hbm>> -> memref<1x32x768xf32, #tpu.memory_space<hbm>>
    %dma_wait3A_240 = tpu.memref_squeeze %dma_wait3A_239 : memref<1x32x768xf32, #tpu.memory_space<hbm>> -> memref<32x768xf32, #tpu.memory_space<hbm>>
    tpu.wait_dma2 semaphore(%arg18 : memref<!tpu.dma_semaphore, #tpu.memory_space<semaphore_mem>>) src(%arg8 : memref<32x768xf32, #tpu.memory_space<vmem>>) dst(%dma_wait3A_240 : memref<32x768xf32, #tpu.memory_space<hbm>>)
    return
  }
}

</mosaic_0001>

<sc_bundles>
// kernel: kernel.3.cloned.1.call-start
scs
__scs_entry_jumppad:
0x0: {  	(pc) =	sbr.rel $0x88, $3  }
0x1: {  	(tag) =	ssettag $0x0;
	lr =	simm.s32 $0x1  }
0x2: {  	[smem:$0x3F9F] =	sst lr;
	_ =	strace $0xD0000000  }
0x3: {  	_ = 	snop  }
0x4: {  	_ = 	snop  }
0x5: {  	_ = 	snop  }
0x6: {  	_ = 	snop  }
0x7: {  	_ = 	snop  }
__scs_overlays_trampoline_lowered:
0x8: {  	[smem:$0x3FAE] =	sst s0  }
0x9: {  	[smem:$0x3FAF] =	sst s1  }
0xa: {  	[smem:$0x3FB0] =	sst s2  }
0xb: {  	[smem:$0x3FB1] =	sst s3  }
0xc: {  	[smem:$0x3FB2] =	sst s4  }
0xd: {  	[smem:$0x3FB3] =	sst s5  }
0xe: {  	[smem:$0x3FB4] =	sst s6  }
0xf: {  	[smem:$0x3FB5] =	sst s7  }
0x10: {  	[smem:$0x3FB6] =	sst s8  }
0x11: {  	[smem:$0x3FB7] =	sst s9;
	s0 =	simm.s32 @!p0 $0x0  }
0x12: {  	s1 =	sld [smem:$0x3F9D];
	s0 =	simm.s32 @p0 $0x1  }
0x13: {  	[smem:$0x3FB8] =	sst s0;
	s0 =	simm.s32 @!p1 $0x0  }
0x14: {  	s2 =	sld [smem:$0x3F9C];
	s0 =	simm.s32 @p1 $0x1  }
0x15: {  	[smem:$0x3FB9] =	sst s0;
	s0 =	simm.s32 @!p2 $0x0  }
0x16: {  	s3 =	sld [smem:$0x3FDB];
	s0 =	simm.s32 @p2 $0x1  }
0x17: {  	s4 =	simm.s32 $0x1BF5;
	[smem:$0x3FBB] =	sst s0  }
0x18: {  	s0 =	sld [smem:$0x3F9E];
	_ =	swait.ge [sflag:s4], $0x0  }
0x19: {  	s7 =	sld [smem:$0x3F9F]  }
0x1a: {  	s8 =	sadd.s32 $0xFFFFE003, lr  }
0x1b: {  	s9 =	sadd.s32 $0xFFFFFEF7, lr;
	s5 =	simm.s32 $0xFFFFFFFF;
	p2 =	slt.u32 s8, $0xFFFFF086  }
0x1c: {  	p1 =	slt.u32 s9, $0xF7A;
	s5 =	simm.s32 @!p2 $0x0  }
0x1d: {  	s5 =	simm.s32 @p1 $0x1;
	p0 =	seq.s32 s7, s2  }
0x1e: {  	s7 =	smul.u32 @!p0 $0xF7A, s2;
	p2 =	seq.s32 @!p0 s5, $0x0  }
0x1f: {  	s9 =	smul.u32 $0xF7A, s1;
	s8 =	simm.s32 @!p0 $0x1BF5;
	p2 =	por !p2, p0  }
0x20: {  	[sflag:s8] =	ssyncset.s32 @!p0 $0xFFFFF086;
	s6 =	sadd.s32 @!p0 s3, s7;
	s7 =	simm.s32 @!p0 $0x108  }
0x21: {  	s3 =	sadd.s32 s3, s9;
	s6 =	sadd.s32 @!p0 $0x88, s6;
	s7 =	simm.s32 @p2 $0x1082  }
0x22: {  	[simem:s7], [sflag:s8] =	dma.local @!p0 [hbm:s6], $0xF7A  }
0x23: {  	s9 =	sor.u32 $0xD0000000, s2;
	s6 =	simm.s32 $0x108;
	_ =	swait.ge @!p0 [sflag:s8], $0x0  }
0x24: {  	s3 =	sadd.s32 $0x88, s3;
	s6 =	simm.s32 @!p1 $0x1082;
	[sflag:s4] =	ssyncset.s32 $0xFFFFF086  }
0x25: {  	[simem:s6], [sflag:s4] =	dma.local [hbm:s3], $0xF7A  }
0x26: {  	[smem:$0x3F9F] =	sst s1;
	(tag) =	ssettag s2;
	_ =	strace s9  }
0x27: {  	s1 =	sld [smem:$0x3FAF]  }
0x28: {  	s2 =	sld [smem:$0x3FB0]  }
0x29: {  	s4 =	sld [smem:$0x3FB2]  }
0x2a: {  	p0 =	seq.s32 s5, $0x0;
	s5 =	sld [smem:$0x3FB3]  }
0x2b: {  	s6 =	sld [smem:$0x3FB4]  }
0x2c: {  	s7 =	sld [smem:$0x3FB5]  }
0x2d: {  	s3 =	simm.s32 $0x108;
	s8 =	sld [smem:$0x3FB6]  }
0x2e: {  	s3 =	simm.s32 @!p0 $0x1082;
	s9 =	sld [smem:$0x3FB7]  }
0x2f: {  	lr =	sadd.s32 s0, s3;
	s0 =	sld [smem:$0x3FAE]  }
0x30: {  	s3 =	sld [smem:$0x3FB1]  }
0x31: {  	[smem:$0x3FBA] =	sst s10  }
0x32: {  	s10 =	sld [smem:$0x3FB8];
	_ =	sdelay $0x3  }
0x33: {  	p0 =	seq.s32 s10, $0x1;
	s10 =	sld [smem:$0x3FBA];
	_ =	sdelay $0x3  }
0x34: {  	[smem:$0x3FBA] =	sst s10  }
0x35: {  	s10 =	sld [smem:$0x3FB9];
	_ =	sdelay $0x3  }
0x36: {  	p1 =	seq.s32 s10, $0x1;
	s10 =	sld [smem:$0x3FBA];
	_ =	sdelay $0x3  }
0x37: {  	[smem:$0x3FBA] =	sst s10  }
0x38: {  	s10 =	sld [smem:$0x3FBB]  }
0x39: {  	_ = 	snop;
	(pc) =	sbr.ind lr, $3  }
0x3a: {  	_ = 	snop  }
0x3b: {  	_ = 	snop  }
0x3c: {  	p2 =	seq.s32 s10, $0x1;
	s10 =	sld [smem:$0x3FBA]  }
0x3d: {  	_ =	shalt  }
0x3e: {  	_ =	shalt  }
0x3f: {  	_ =	shalt  }
0x40: {  	_ =	shalt  }
0x41: {  	_ =	shalt  }
0x42: {  	_ =	shalt  }
0x43: {  	_ =	shalt  }
0x44: {  	_ =	shalt  }
0x45: {  	_ =	shalt  }
0x46: {  	_ =	shalt  }
0x47: {  	_ =	shalt  }
0x48: {  	_ =	shalt  }
0x49: {  	_ =	shalt  }
0x4a: {  	_ =	shalt  }
0x4b: {  	_ =	shalt  }
0x4c: {  	_ =	shalt  }
0x4d: {  	_ =	shalt  }
0x4e: {  	_ =	shalt  }
0x4f: {  	_ =	shalt  }
0x50: {  	_ =	shalt  }
0x51: {  	_ =	shalt  }
0x52: {  	_ =	shalt  }
0x53: {  	_ =	shalt  }
0x54: {  	_ =	shalt  }
0x55: {  	_ =	shalt  }
0x56: {  	_ =	shalt  }
0x57: {  	_ =	shalt  }
0x58: {  	_ =	shalt  }
0x59: {  	_ =	shalt  }
0x5a: {  	_ =	shalt  }
0x5b: {  	_ =	shalt  }
0x5c: {  	_ =	shalt  }
0x5d: {  	_ =	shalt  }
0x5e: {  	_ =	shalt  }
0x5f: {  	_ =	shalt  }
0x60: {  	_ =	shalt  }
0x61: {  	_ =	shalt  }
0x62: {  	_ =	shalt  }
0x63: {  	_ =	shalt  }
0x64: {  	_ =	shalt  }
0x65: {  	_ =	shalt  }
0x66: {  	_ =	shalt  }
0x67: {  	_ =	shalt  }
0x68: {  	_ =	shalt  }
0x69: {  	_ =	shalt  }
0x6a: {  	_ =	shalt  }
0x6b: {  	_ =	shalt  }
0x6c: {  	_ =	shalt  }
0x6d: {  	_ =	shalt  }
0x6e: {  	_ =	shalt  }
0x6f: {  	_ =	shalt  }
0x70: {  	_ =	shalt  }
0x71: {  	_ =	shalt  }
0x72: {  	_ =	shalt  }
0x73: {  	_ =	shalt  }
0x74: {  	_ =	shalt  }
0x75: {  	_ =	shalt  }
0x76: {  	_ =	shalt  }
0x77: {  	_ =	shalt  }
0x78: {  	_ =	shalt  }
0x79: {  	_ =	shalt  }
0x7a: {  	_ =	shalt  }
0x7b: {  	_ =	shalt  }
0x7c: {  	_ =	shalt  }
0x7d: {  	_ =	shalt  }
0x7e: {  	_ =	shalt  }
0x7f: {  	_ =	shalt  }
0x80: {  	_ =	shalt  }
0x81: {  	_ =	shalt  }
0x82: {  	_ =	shalt  }
0x83: {  	_ =	shalt  }
0x84: {  	_ =	shalt  }
0x85: {  	_ =	shalt  }
0x86: {  	_ =	shalt  }
0x87: {  	_ =	shalt  }
.Lfunc_end0:
.L_simem_size_0:
called_computation_lowered:
.L_overlay_start_0:
0x88: {  	s2 =	sld [smem:$0x3FD9]  }
0x89: {  	s3 =	sld [smem:$0x3FFE];
	_ =	sdelay $0x1  }
0x8a: {  	s1 =	srdreg.scid  }
0x8b: {  	s0 =	sand.u32 $0x1, s1  }
0x8c: {  	s18 =	sshll.u32 s0, $0xA;
	s2 =	sadd.s32 s3, s2  }
0x8d: {  	s2 =	sadd.s32 s2, s18  }
0x8e: {  	[smem:$0x3FC6] =	sst s2  }
0x8f: {  	_ = 	snop  }
0x90: {  	s2 =	sld [smem:$0x3FC9]  }
0x91: {  	s19 =	sld [smem:$0x3FC8]  }
0x92: {  	s4 =	sld [smem:$0x3FD0];
	(tm) =	ssettm $0x1  }
0x93: {  	s5 =	sld [smem:$0x3FFB];
	_ =	sdelay $0x3  }
0x94: {  	_ =	strace s5  }
0x95: {  	s5 =	sld [smem:$0x3FFC];
	_ =	sdelay $0x3  }
0x96: {  	_ =	strace s5  }
0x97: {  	s5 =	sld [smem:$0x3FFD];
	_ =	sdelay $0x3  }
0x98: {  	_ =	strace s5  }
0x99: {  	_ =	strace $0x8FFFFFFF  }
0x9a: {  	s20 =	sld [smem:$0x3FDB];
	_ =	sdelay $0x1  }
0x9b: {  	s6 =	simm.s32 $_scs_section_size  }
0x9c: {  	s7 =	simm.s32 $_size__tile_overlayer_lowered;
	s8 =	simm.s32 $_tile_overlayer_lowered  }
0x9d: {  	s23 =	simm.s32 $0x1BFF;
	s22 =	sshll.u32 s8, $0x1;
	s5 =	sadd.s32 s6, s20  }
0x9e: {  	s9 =	simm.s32 $0x0;
	s21 =	sshll.u32 s7, $0x1;
	s7 =	sadd.s32 s22, s5  }
0x9f: {  	[timem:s9], [sflag:s23] =	dma.local [hbm:s7], s21  }
0xa0: {  	_ =	swait.ge [sflag:s23], s21  }
0xa1: {  	s6 =	ssub.s32 $0x0, s21;
	[sflag:s23] =	ssyncset.done $0x0  }
0xa2: {  	[sflag:s23] =	ssyncadd.s32 s6;
	_ =	sdelay $0x1  }
0xa3: {  	s24 =	simm.s32 $0x1B8B  }
0xa4: {  	_ =	swait.ge [sflag:s24], $0x1  }
0xa5: {  	[sflag:s24] =	ssyncset.done $0x0  }
0xa6: {  	s25 =	simm.s32 $0x1B8E;
	[sflag:s24] =	ssyncadd.s32 $0xFFFFFFFF  }
0xa7: {  	s26 =	simm.s32 $execute0_lowered;
	[smem:$0x3FD2] =	sst s25  }
0xa8: {  	s6 =	sshll.u32 s26, $0x1;
	_ =	strace $0x80000046;
	[dreg:$0x1] =	wrdreg $0xFFFFFFFF  }
0xa9: {  	s28 =	simm.s32 $_size_execute0_lowered;
	s5 =	sadd.s32 s5, s6;
	[dreg:$0x0] =	wrdreg $0x0  }
0xaa: {  	s6 =	sshll.u32 s28, $0x1;
	[dreg:$0x2] =	wrdreg s5  }
0xab: {  	[dreg:$0x3] =	wrdreg s6  }
0xac: {  	[dreg:$0x4] =	wrdreg $0xC0  }
0xad: {  	_ =	task [dreg:s9], $0x5FFFF  }
0xae: {  	[dreg:$0x1] =	wrdreg $0xFFFFFFFF  }
0xaf: {  	[dreg:$0x0] =	wrdreg $0x60  }
0xb0: {  	[dreg:$0x2] =	wrdreg s2  }
0xb1: {  	[dreg:$0x3] =	wrdreg s19  }
0xb2: {  	[dreg:$0x4] =	wrdreg s4  }
0xb3: {  	[dreg:$0x5] =	wrdreg $0x9  }
0xb4: {  	_ =	task.clear_ibuf [dreg:s9], $0x6FFFF;
	_ =	strace $0x90000046  }
0xb5: {  	s29 =	simm.s32 $0x9;
	_ =	strace $0x80000048  }
0xb6: {  	_ =	swait.ge [sflag:s29], $0x1  }
0xb7: {  	[sflag:s29] =	ssyncadd.s32 $0xFFFFFFFF  }
0xb8: {  	_ =	strace $0x90000048  }
0xb9: {  	_ =	sfence  }
0xba: {  	s30 =	sld [smem:$0x0];
	_ =	sdelay $0x2  }
0xbb: {  	s31 =	sshll.u32 s1, $0xD;
	s1 =	sshrl.u32 s1, $0x2  }
0xbc: {  	s3 =	sand.u32 $0x4000, s31;
	s1 =	sadd.s32 s1, s30  }
0xbd: {  	s0 =	sor.u32 s3, s0;
	s1 =	sshll.u32 s1, $0x11  }
0xbe: {  	s0 =	sor.u32 s1, s0  }
0xbf: {  	s0 =	sadd.s32 $0x8F2B, s0  }
0xc0: {  	[sflag:s0] =	ssyncadd.remote.s32 $0x1  }
0xc1: {  	_ =	sfence.sel $0xFFFF  }
0xc2: {  	[dreg:$0x0] =	wrdreg $0xFFFFFFFF;
	(pc) =	sbr.abs _section_cstart, $3  }
0xc3: {  	[dreg:$0x1] =	wrdreg $0xFFFFFFFF  }
0xc4: {  	_ =	task.clear_ibuf [dreg:s9], $0x2FFFF;
	_ =	strace $0x9FFFFFFF  }
0xc5: {  	(tm) =	ssettm $0x7FFFFFFF  }
tec
execute0_lowered:
.L_overlay_start_1:
0x0: {  	(tag) =	ssettag $0x1  }
0x1: {  	s0 =	srdreg.scid  }
0x2: {  	s2 =	stileid.u32;
	s5 =	rddreg [dreg:$0x0];
	s3 =	simm.s32 $0x1  }
0x3: {  	s6 =	rddreg [dreg:$0x2];
	s25 =	simm.s32 $0x12900;
	s12 =	simm.s32 $0x16900  }
0x4: {  	s13 =	simm.s32 $0x17100;
	s14 =	simm.s32 $0x17900;
	s0 =	sand.u32 $0x1, s0  }
0x5: {  	s15 =	simm.s32 $0x80;
	s28 =	simm.s32 $0x2;
	s1 =	sshll.u32 s0, $0x4  }
0x6: {  	s29 =	simm.s32 $0x7;
	s4 =	sand.u32 $0x7, s2;
	s1 =	sor.u32 s2, s1  }
0x7: {  	s30 =	simm.s32 $0x3;
	p1 =	sne.s32 s4, $0x0;
	p0 =	seq.s32 s1, $0x0  }
0x8: {  	s31 =	simm.s32 $0x8;
	s8 =	sshll.u32 s4, $0xA;
	p0 =	por !p1, !p0  }
0x9: {  	s9 =	sshll.u32 s4, $0x8;
	s0 =	ssub.s32 $0x2, s0;
	p0 =	por !p0, !p0  }
0xa: {  	s2 =	rddreg [dreg:$0x1];
	s1 =	sshrl.u32 s1, $0x3;
	s3 =	simm.s32 @!p0 $0x0  }
0xb: {  	s9 =	sor.u32 $0x80, s9;
	s1 =	ssub.s32 s1, s3;
	s3 =	simm.s32 $0x0  }
0xc: {  	s11 =	sshll.u32 s9, $0x2;
	s17 =	sshrl.u32 s9, $0x3;
	[smem:$0x7FF] =	sst s3  }
0xd: {  	s9 =	simm.s32 $0x15100;
	_ =	strace $0x80000047;
	[dreg:$0xd] =	wrdreg s25  }
0xe: {  	s4 =	smul.u32 $0x30000, s4;
	s26 =	sshrl.u32 s0, $0x1;
	[dreg:$0x12] =	wrdreg s9  }
0xf: {  	s0 =	ssub.s32 s0, s26;
	s26 =	simm.s32 $0x1D900;
	[dreg:$0x15] =	wrdreg s12  }
0x10: {  	s7 =	sshll.u32 s1, $0xB;
	s10 =	sshll.u32 s1, $0x7;
	[dreg:$0x16] =	wrdreg s13  }
0x11: {  	s1 =	smul.u32 $0x180000, s1;
	s7 =	sand.u32 $0xFFFFE000, s7;
	[dreg:$0x17] =	wrdreg s14  }
0x12: {  	s10 =	sand.u32 $0x180, s10;
	[dreg:$0x18] =	wrdreg s15;
	s25 =	simm.s32 $0x1D100  }
0x13: {  	[smem:$0x7FD] =	sst s26;
	s26 =	simm.s32 $0x6;
	s12 =	simm.s32 $0x7100  }
0x14: {  	s8 =	sor.u32 s8, s7;
	s7 =	sor.u32 s11, s7;
	s4 =	sadd.s32 s4, s1  }
0x15: {  	s11 =	simm.s32 $0x16100;
	[smem:$0x7FC] =	sst s25;
	s8 =	sor.u32 s10, s8  }
0x16: {  	s7 =	sor.u32 s10, s7;
	s16 =	sshrl.u32 s4, $0x3;
	s19 =	sadd.s32 $0x12000, s4  }
0x17: {  	s20 =	sadd.s32 $0x1E000, s4;
	s22 =	sadd.s32 $0x24000, s4;
	s4 =	sadd.s32 $0x2A000, s4  }
0x18: {  	s10 =	simm.s32 $0x15900;
	[dreg:$0x14] =	wrdreg s11;
	s8 =	sshrl.u32 s8, $0x3  }
0x19: {  	s21 =	sshrl.u32 s20, $0x3;
	[dreg:$0x13] =	wrdreg s10;
	s20 =	simm.s32 $0x1A900  }
0x1a: {  	s7 =	sshrl.u32 s7, $0x3;
	s8 =	sadd.s32 s5, s8;
	[dreg:$0x1d] =	wrdreg s20  }
0x1b: {  	s4 =	sshrl.u32 s4, $0x3;
	s5 =	sadd.s32 s5, s7;
	[dreg:$0x4] =	wrdreg s8  }
0x1c: {  	s9 =	simm.s32 $0x8900;
	s24 =	sadd.s32 s6, s4;
	[dreg:$0x5] =	wrdreg s5  }
0x1d: {  	s7 =	smul.u32 $0x1800, s17;
	s17 =	simm.s32 $0x19100;
	[dreg:$0xc] =	wrdreg s24  }
0x1e: {  	s25 =	simm.s32 $0x4900;
	s8 =	sadd.s32 s6, s16;
	[dreg:$0x1a] =	wrdreg s17  }
0x1f: {  	s11 =	simm.s32 $0x6100;
	s16 =	simm.s32 $0x18900;
	[smem:$0x7F9] =	sst s8  }
0x20: {  	s5 =	sshrl.u32 s19, $0x3;
	s19 =	simm.s32 $0x1A100;
	[dreg:$0x19] =	wrdreg s16  }
0x21: {  	s10 =	simm.s32 $0x7900;
	s24 =	simm.s32 $0x1C900;
	[dreg:$0x1c] =	wrdreg s19  }
0x22: {  	s20 =	simm.s32 $0x2900;
	s18 =	sadd.s32 $0xC00, s8;
	[smem:$0x7FB] =	sst s24  }
0x23: {  	s17 =	simm.s32 $0x1100;
	s8 =	sadd.s32 $0x1800, s8;
	[dreg:$0x6] =	wrdreg s18  }
0x24: {  	s1 =	sadd.s32 s7, s1;
	s5 =	sadd.s32 s6, s5;
	[dreg:$0x7] =	wrdreg s8  }
0x25: {  	s7 =	simm.s32 $0x14100;
	s16 =	simm.s32 $0x900;
	[dreg:$0x8] =	wrdreg s5  }
0x26: {  	s19 =	simm.s32 $0x2100;
	[dreg:$0x10] =	wrdreg s7;
	s8 =	simm.s32 $0x14900  }
0x27: {  	s1 =	sshrl.u32 s1, $0x3;
	s18 =	simm.s32 $0x19900;
	[dreg:$0x11] =	wrdreg s8  }
0x28: {  	s5 =	sshrl.u32 s22, $0x3;
	s22 =	simm.s32 $0x1B900;
	[dreg:$0x1b] =	wrdreg s18  }
0x29: {  	s24 =	simm.s32 $0x4100;
	s1 =	sadd.s32 s6, s1;
	[dreg:$0x1f] =	wrdreg s22  }
0x2a: {  	s7 =	sadd.s32 $0x200, s2;
	s23 =	sadd.s32 s6, s5;
	[dreg:$0x9] =	wrdreg s1  }
0x2b: {  	s5 =	simm.s32 $0x13100;
	s8 =	smax.u32 s0, $0x1;
	[dreg:$0xb] =	wrdreg s23  }
0x2c: {  	s22 =	simm.s32 $0x100;
	s1 =	sadd.s32 s6, s21;
	[dreg:$0xe] =	wrdreg s5  }
0x2d: {  	s18 =	simm.s32 $0x1900;
	s6 =	simm.s32 $0x13900;
	[dreg:$0xa] =	wrdreg s1  }
0x2e: {  	v2 =	vlaneseq.u32;
	s21 =	simm.s32 $0x1B100;
	s23 =	simm.s32 $0x1C100;
	[dreg:$0xf] =	wrdreg s6  }
0x2f: {  	vm0 =	vmmov $0xffff;
	v1 =	vshrl.u32 v2, $0x3;
	s5 =	simm.s32 $0x5100;
	s6 =	sadd.s32 $0x100, s2;
	[dreg:$0x1e] =	wrdreg s21  }
0x30: {  	v0 =	vand.u32 $0x7, v2;
	v2 =	vor.u32 $0x8, v2;
	v1 =	vmul.u32 $0x8, v1;
	[smem:$0x7FA] =	sst s23;
	s21 =	simm.s32 $0x3100;
	s23 =	simm.s32 $0x3900  }
.LBB2_1:
0x31: {  	s13 =	rddreg [dreg:$0x4];
	s0 =	simm.s32 $0xB  }
0x32: {  	[tilespmem:s3], [sflag:$0xB] =	stream.linear.gather [hbm4b:s13+s3], $0x80, $0x38;
	[tilespmem:$0x1E100] =	vst v63  }
0x33: {  	_ =	swait.ge [sflag:s0], $0x80  }
0x34: {  	[sflag:s0] =	ssyncset.done $0x0  }
0x35: {  	[sflag:s0] =	ssyncadd.s32 $0xFFFFFF80  }
0x36: {  	v3 =	vld [tilespmem:$0x0];
	_ =	sdelay $0x4  }
0x37: {  	v4 =	vshrl.u32 v3, $0x3  }
0x38: {  	v4 =	vmul.u32 $0x30, v4  }
0x39: {  	v3 =	vand.u32 $0x7, v3  }
0x3a: {  	v3 =	vor.u32 v3, v4  }
0x3b: {  	v4 =	vperm.xlane v3, v0;
	_ =	sdelay $0x1  }
0x3c: {  	v4 =	vadd.s32 v1, v4;
	_ =	sdelay $0x3  }
0x3d: {  	v3 =	vperm.xlane v3, v2  }
0x3e: {  	[tilespmem:s22], [sflag:$0x1] =	stream.indirect_vreg.gather [hbm4b:s2+s3], $0x80, v4, vm0, $0xb8;
	[tilespmem:$0x1E100] =	vst v63  }
0x3f: {  	v3 =	vadd.s32 v1, v3  }
0x40: {  	[tilespmem:s16], [sflag:$0x1] =	stream.indirect_vreg.gather [hbm4b:s6+s3], $0x80, v4, vm0, $0xb8;
	[tilespmem:$0x1E100] =	vst v63  }
0x41: {  	_ = 	snop  }
0x42: {  	[tilespmem:s17], [sflag:$0x1] =	stream.indirect_vreg.gather [hbm4b:s7+s3], $0x80, v4, vm0, $0xb8;
	[tilespmem:$0x1E100] =	vst v63  }
0x43: {  	_ = 	snop  }
0x44: {  	[tilespmem:s18], [sflag:$0x1] =	stream.indirect_vreg.gather [hbm4b:s2+s3], $0x80, v3, vm0, $0xb8;
	[tilespmem:$0x1E100] =	vst v63  }
0x45: {  	_ = 	snop  }
0x46: {  	[tilespmem:s19], [sflag:$0x1] =	stream.indirect_vreg.gather [hbm4b:s6+s3], $0x80, v3, vm0, $0xb8;
	[tilespmem:$0x1E100] =	vst v63  }
0x47: {  	_ = 	snop  }
0x48: {  	[tilespmem:s20], [sflag:$0x1] =	stream.indirect_vreg.gather [hbm4b:s7+s3], $0x80, v3, vm0, $0xb8;
	[tilespmem:$0x1E100] =	vst v63  }
0x49: {  	v3 =	vld [tilespmem:$0x10];
	_ =	sdelay $0x4  }
0x4a: {  	v49 =	vshrl.u32 v3, $0x3  }
0x4b: {  	v4 =	vmul.u32 $0x30, v49  }
0x4c: {  	v3 =	vand.u32 $0x7, v3  }
0x4d: {  	v3 =	vor.u32 v3, v4  }
0x4e: {  	v4 =	vperm.xlane v3, v0;
	_ =	sdelay $0x1  }
0x4f: {  	v4 =	vadd.s32 v1, v4;
	_ =	sdelay $0x3  }
0x50: {  	v3 =	vperm.xlane v3, v2  }
0x51: {  	[tilespmem:s21], [sflag:$0x1] =	stream.indirect_vreg.gather [hbm4b:s2+s3], $0x80, v4, vm0, $0xb8;
	[tilespmem:$0x1E100] =	vst v63  }
0x52: {  	v3 =	vadd.s32 v1, v3  }
0x53: {  	[tilespmem:s23], [sflag:$0x1] =	stream.indirect_vreg.gather [hbm4b:s6+s3], $0x80, v4, vm0, $0xb8;
	[tilespmem:$0x1E100] =	vst v63  }
0x54: {  	_ = 	snop  }
0x55: {  	[tilespmem:s24], [sflag:$0x1] =	stream.indirect_vreg.gather [hbm4b:s7+s3], $0x80, v4, vm0, $0xb8;
	[tilespmem:$0x1E100] =	vst v63  }
0x56: {  	_ = 	snop  }
0x57: {  	[tilespmem:s25], [sflag:$0x1] =	stream.indirect_vreg.gather [hbm4b:s2+s3], $0x80, v3, vm0, $0xb8;
	[tilespmem:$0x1E100] =	vst v63  }
0x58: {  	_ = 	snop  }
0x59: {  	[tilespmem:s5], [sflag:$0x1] =	stream.indirect_vreg.gather [hbm4b:s6+s3], $0x80, v3, vm0, $0xb8;
	[tilespmem:$0x1E100] =	vst v63  }
0x5a: {  	s4 =	simm.s32 $0x5900  }
0x5b: {  	[tilespmem:s4], [sflag:$0x1] =	stream.indirect_vreg.gather [hbm4b:s7+s3], $0x80, v3, vm0, $0xb8;
	[tilespmem:$0x1E100] =	vst v63  }
0x5c: {  	v3 =	vld [tilespmem:$0x20];
	_ =	sdelay $0x4  }
0x5d: {  	v50 =	vshrl.u32 v3, $0x3  }
0x5e: {  	v4 =	vmul.u32 $0x30, v50  }
0x5f: {  	v3 =	vand.u32 $0x7, v3  }
0x60: {  	v3 =	vor.u32 v3, v4  }
0x61: {  	v4 =	vperm.xlane v3, v0;
	_ =	sdelay $0x1  }
0x62: {  	v4 =	vadd.s32 v1, v4;
	_ =	sdelay $0x3  }
0x63: {  	v3 =	vperm.xlane v3, v2  }
0x64: {  	[tilespmem:s11], [sflag:$0x2] =	stream.indirect_vreg.gather [hbm4b:s2+s3], $0x80, v4, vm0, $0xb8;
	[tilespmem:$0x1E100] =	vst v63  }
0x65: {  	s1 =	simm.s32 $0x6900;
	v3 =	vadd.s32 v1, v3  }
0x66: {  	[tilespmem:s1], [sflag:$0x2] =	stream.indirect_vreg.gather [hbm4b:s6+s3], $0x80, v4, vm0, $0xb8;
	[tilespmem:$0x1E100] =	vst v63  }
0x67: {  	_ = 	snop  }
0x68: {  	[tilespmem:s12], [sflag:$0x2] =	stream.indirect_vreg.gather [hbm4b:s7+s3], $0x80, v4, vm0, $0xb8;
	[tilespmem:$0x1E100] =	vst v63  }
0x69: {  	_ = 	snop  }
0x6a: {  	[tilespmem:s10], [sflag:$0x2] =	stream.indirect_vreg.gather [hbm4b:s2+s3], $0x80, v3, vm0, $0xb8;
	[tilespmem:$0x1E100] =	vst v63  }
0x6b: {  	s13 =	simm.s32 $0x8100  }
0x6c: {  	[tilespmem:s13], [sflag:$0x2] =	stream.indirect_vreg.gather [hbm4b:s6+s3], $0x80, v3, vm0, $0xb8;
	[tilespmem:$0x1E100] =	vst v63  }
0x6d: {  	_ = 	snop  }
0x6e: {  	[tilespmem:s9], [sflag:$0x2] =	stream.indirect_vreg.gather [hbm4b:s7+s3], $0x80, v3, vm0, $0xb8;
	[tilespmem:$0x1E100] =	vst v63  }
0x6f: {  	v3 =	vld [tilespmem:$0x30];
	_ =	sdelay $0x4  }
0x70: {  	v51 =	vshrl.u32 v3, $0x3  }
0x71: {  	v4 =	vmul.u32 $0x30, v51  }
0x72: {  	v3 =	vand.u32 $0x7, v3  }
0x73: {  	v3 =	vor.u32 v3, v4  }
0x74: {  	v4 =	vperm.xlane v3, v0;
	_ =	sdelay $0x1  }
0x75: {  	v4 =	vadd.s32 v1, v4;
	_ =	sdelay $0x3  }
0x76: {  	s14 =	simm.s32 $0x9100;
	v3 =	vperm.xlane v3, v2  }
0x77: {  	[tilespmem:s14], [sflag:$0x2] =	stream.indirect_vreg.gather [hbm4b:s2+s3], $0x80, v4, vm0, $0xb8;
	[tilespmem:$0x1E100] =	vst v63  }
0x78: {  	s15 =	simm.s32 $0x9900;
	v3 =	vadd.s32 v1, v3  }
0x79: {  	[tilespmem:s15], [sflag:$0x2] =	stream.indirect_vreg.gather [hbm4b:s6+s3], $0x80, v4, vm0, $0xb8;
	[tilespmem:$0x1E100] =	vst v63  }
0x7a: {  	s13 =	simm.s32 $0xA100  }
0x7b: {  	[tilespmem:s13], [sflag:$0x2] =	stream.indirect_vreg.gather [hbm4b:s7+s3], $0x80, v4, vm0, $0xb8;
	[tilespmem:$0x1E100] =	vst v63  }
0x7c: {  	s14 =	simm.s32 $0xA900  }
0x7d: {  	[tilespmem:s14], [sflag:$0x2] =	stream.indirect_vreg.gather [hbm4b:s2+s3], $0x80, v3, vm0, $0xb8;
	[tilespmem:$0x1E100] =	vst v63  }
0x7e: {  	s15 =	simm.s32 $0xB100  }
0x7f: {  	[tilespmem:s15], [sflag:$0x2] =	stream.indirect_vreg.gather [hbm4b:s6+s3], $0x80, v3, vm0, $0xb8;
	[tilespmem:$0x1E100] =	vst v63  }
0x80: {  	s13 =	simm.s32 $0xB900  }
0x81: {  	[tilespmem:s13], [sflag:$0x2] =	stream.indirect_vreg.gather [hbm4b:s7+s3], $0x80, v3, vm0, $0xb8;
	[tilespmem:$0x1E100] =	vst v63  }
0x82: {  	v3 =	vld [tilespmem:$0x40];
	_ =	sdelay $0x4  }
0x83: {  	v52 =	vshrl.u32 v3, $0x3  }
0x84: {  	v4 =	vmul.u32 $0x30, v52  }
0x85: {  	v3 =	vand.u32 $0x7, v3  }
0x86: {  	v3 =	vor.u32 v3, v4  }
0x87: {  	v4 =	vperm.xlane v3, v0;
	_ =	sdelay $0x1  }
0x88: {  	v4 =	vadd.s32 v1, v4;
	_ =	sdelay $0x3  }
0x89: {  	s1 =	simm.s32 $0xC100;
	v3 =	vperm.xlane v3, v2  }
0x8a: {  	[tilespmem:s1], [sflag:$0x3] =	stream.indirect_vreg.gather [hbm4b:s2+s3], $0x80, v4, vm0, $0xb8;
	[tilespmem:$0x1E100] =	vst v63  }
0x8b: {  	s14 =	simm.s32 $0xC900;
	v3 =	vadd.s32 v1, v3  }
0x8c: {  	[tilespmem:s14], [sflag:$0x3] =	stream.indirect_vreg.gather [hbm4b:s6+s3], $0x80, v4, vm0, $0xb8;
	[tilespmem:$0x1E100] =	vst v63  }
0x8d: {  	s15 =	simm.s32 $0xD100  }
0x8e: {  	[tilespmem:s15], [sflag:$0x3] =	stream.indirect_vreg.gather [hbm4b:s7+s3], $0x80, v4, vm0, $0xb8;
	[tilespmem:$0x1E100] =	vst v63  }
0x8f: {  	s14 =	simm.s32 $0xD900  }
0x90: {  	[tilespmem:s14], [sflag:$0x3] =	stream.indirect_vreg.gather [hbm4b:s2+s3], $0x80, v3, vm0, $0xb8;
	[tilespmem:$0x1E100] =	vst v63  }
0x91: {  	s15 =	simm.s32 $0xE100  }
0x92: {  	[tilespmem:s15], [sflag:$0x3] =	stream.indirect_vreg.gather [hbm4b:s6+s3], $0x80, v3, vm0, $0xb8;
	[tilespmem:$0x1E100] =	vst v63  }
0x93: {  	s14 =	simm.s32 $0xE900  }
0x94: {  	[tilespmem:s14], [sflag:$0x3] =	stream.indirect_vreg.gather [hbm4b:s7+s3], $0x80, v3, vm0, $0xb8;
	[tilespmem:$0x1E100] =	vst v63  }
0x95: {  	v3 =	vld [tilespmem:$0x50];
	_ =	sdelay $0x4  }
0x96: {  	v53 =	vshrl.u32 v3, $0x3  }
0x97: {  	v4 =	vmul.u32 $0x30, v53  }
0x98: {  	v3 =	vand.u32 $0x7, v3  }
0x99: {  	v3 =	vor.u32 v3, v4  }
0x9a: {  	v4 =	vperm.xlane v3, v0;
	_ =	sdelay $0x1  }
0x9b: {  	v4 =	vadd.s32 v1, v4;
	_ =	sdelay $0x3  }
0x9c: {  	s15 =	simm.s32 $0xF100;
	v3 =	vperm.xlane v3, v2  }
0x9d: {  	[tilespmem:s15], [sflag:$0x3] =	stream.indirect_vreg.gather [hbm4b:s2+s3], $0x80, v4, vm0, $0xb8;
	[tilespmem:$0x1E100] =	vst v63  }
0x9e: {  	s14 =	simm.s32 $0xF900;
	v3 =	vadd.s32 v1, v3  }
0x9f: {  	[tilespmem:s14], [sflag:$0x3] =	stream.indirect_vreg.gather [hbm4b:s6+s3], $0x80, v4, vm0, $0xb8;
	[tilespmem:$0x1E100] =	vst v63  }
0xa0: {  	s15 =	simm.s32 $0x10100  }
0xa1: {  	[tilespmem:s15], [sflag:$0x3] =	stream.indirect_vreg.gather [hbm4b:s7+s3], $0x80, v4, vm0, $0xb8;
	[tilespmem:$0x1E100] =	vst v63  }
0xa2: {  	s14 =	simm.s32 $0x10900  }
0xa3: {  	[tilespmem:s14], [sflag:$0x3] =	stream.indirect_vreg.gather [hbm4b:s2+s3], $0x80, v3, vm0, $0xb8;
	[tilespmem:$0x1E100] =	vst v63  }
0xa4: {  	s15 =	simm.s32 $0x11100  }
0xa5: {  	[tilespmem:s15], [sflag:$0x3] =	stream.indirect_vreg.gather [hbm4b:s6+s3], $0x80, v3, vm0, $0xb8;
	[tilespmem:$0x1E100] =	vst v63  }
0xa6: {  	s14 =	simm.s32 $0x11900  }
0xa7: {  	[tilespmem:s14], [sflag:$0x3] =	stream.indirect_vreg.gather [hbm4b:s7+s3], $0x80, v3, vm0, $0xb8;
	[tilespmem:$0x1E100] =	vst v63  }
0xa8: {  	v3 =	vld [tilespmem:$0x60];
	_ =	sdelay $0x4  }
0xa9: {  	v54 =	vshrl.u32 v3, $0x3  }
0xaa: {  	v4 =	vmul.u32 $0x30, v54  }
0xab: {  	v3 =	vand.u32 $0x7, v3  }
0xac: {  	v3 =	vor.u32 v3, v4  }
0xad: {  	v4 =	vperm.xlane v3, v0;
	_ =	sdelay $0x1  }
0xae: {  	v4 =	vadd.s32 v1, v4;
	_ =	sdelay $0x3  }
0xaf: {  	s14 =	simm.s32 $0x12100;
	v3 =	vperm.xlane v3, v2  }
0xb0: {  	[tilespmem:s14], [sflag:$0x4] =	stream.indirect_vreg.gather [hbm4b:s2+s3], $0x80, v4, vm0, $0xb8;
	[tilespmem:$0x1E100] =	vst v63  }
0xb1: {  	s15 =	rddreg [dreg:$0xd];
	v3 =	vadd.s32 v1, v3  }
0xb2: {  	[tilespmem:s15], [sflag:$0x4] =	stream.indirect_vreg.gather [hbm4b:s6+s3], $0x80, v4, vm0, $0xb8;
	[tilespmem:$0x1E100] =	vst v63  }
0xb3: {  	s14 =	rddreg [dreg:$0xe]  }
0xb4: {  	[tilespmem:s14], [sflag:$0x4] =	stream.indirect_vreg.gather [hbm4b:s7+s3], $0x80, v4, vm0, $0xb8;
	[tilespmem:$0x1E100] =	vst v63  }
0xb5: {  	s15 =	rddreg [dreg:$0xf]  }
0xb6: {  	[tilespmem:s15], [sflag:$0x4] =	stream.indirect_vreg.gather [hbm4b:s2+s3], $0x80, v3, vm0, $0xb8;
	[tilespmem:$0x1E100] =	vst v63  }
0xb7: {  	s14 =	rddreg [dreg:$0x10]  }
0xb8: {  	[tilespmem:s14], [sflag:$0x4] =	stream.indirect_vreg.gather [hbm4b:s6+s3], $0x80, v3, vm0, $0xb8;
	[tilespmem:$0x1E100] =	vst v63  }
0xb9: {  	s15 =	rddreg [dreg:$0x11]  }
0xba: {  	[tilespmem:s15], [sflag:$0x4] =	stream.indirect_vreg.gather [hbm4b:s7+s3], $0x80, v3, vm0, $0xb8;
	[tilespmem:$0x1E100] =	vst v63  }
0xbb: {  	v3 =	vld [tilespmem:$0x70];
	_ =	sdelay $0x4  }
0xbc: {  	v55 =	vshrl.u32 v3, $0x3  }
0xbd: {  	v4 =	vmul.u32 $0x30, v55  }
0xbe: {  	v3 =	vand.u32 $0x7, v3  }
0xbf: {  	v3 =	vor.u32 v3, v4  }
0xc0: {  	v4 =	vperm.xlane v3, v0;
	_ =	sdelay $0x1  }
0xc1: {  	v4 =	vadd.s32 v1, v4;
	_ =	sdelay $0x2  }
0xc2: {  	s13 =	rddreg [dreg:$0x17]  }
0xc3: {  	s15 =	rddreg [dreg:$0x12];
	v3 =	vperm.xlane v3, v2  }
0xc4: {  	[tilespmem:s15], [sflag:$0x4] =	stream.indirect_vreg.gather [hbm4b:s2+s3], $0x80, v4, vm0, $0xb8;
	[tilespmem:$0x1E100] =	vst v63  }
0xc5: {  	s14 =	rddreg [dreg:$0x13];
	v3 =	vadd.s32 v1, v3  }
0xc6: {  	[tilespmem:s14], [sflag:$0x4] =	stream.indirect_vreg.gather [hbm4b:s6+s3], $0x80, v4, vm0, $0xb8;
	[tilespmem:$0x1E100] =	vst v63  }
0xc7: {  	s15 =	rddreg [dreg:$0x14]  }
0xc8: {  	[tilespmem:s15], [sflag:$0x4] =	stream.indirect_vreg.gather [hbm4b:s7+s3], $0x80, v4, vm0, $0xb8;
	[tilespmem:$0x1E100] =	vst v63  }
0xc9: {  	s14 =	rddreg [dreg:$0x15]  }
0xca: {  	[tilespmem:s14], [sflag:$0x4] =	stream.indirect_vreg.gather [hbm4b:s2+s3], $0x80, v3, vm0, $0xb8;
	[tilespmem:$0x1E100] =	vst v63  }
0xcb: {  	s15 =	rddreg [dreg:$0x16]  }
0xcc: {  	[tilespmem:s15], [sflag:$0x4] =	stream.indirect_vreg.gather [hbm4b:s6+s3], $0x80, v3, vm0, $0xb8;
	[tilespmem:$0x1E100] =	vst v63  }
0xcd: {  	s14 =	rddreg [dreg:$0x5]  }
0xce: {  	[tilespmem:s13], [sflag:$0x4] =	stream.indirect_vreg.gather [hbm4b:s7+s3], $0x80, v3, vm0, $0xb8;
	[tilespmem:$0x1E100] =	vst v63  }
0xcf: {  	s15 =	rddreg [dreg:$0x18]  }
0xd0: {  	[tilespmem:s15], [sflag:$0xB] =	stream.linear.gather [hbm4b:s14+s3], $0x80, $0x38;
	[tilespmem:$0x1E100] =	vst v63  }
0xd1: {  	_ =	swait.ge [sflag:s0], $0x80  }
0xd2: {  	[sflag:s0] =	ssyncset.done $0x0  }
0xd3: {  	[sflag:s0] =	ssyncadd.s32 $0xFFFFFF80  }
0xd4: {  	v3 =	vld [tilespmem:$0x80];
	_ =	sdelay $0x4  }
0xd5: {  	v56 =	vshrl.u32 v3, $0x3  }
0xd6: {  	v4 =	vmul.u32 $0x30, v56  }
0xd7: {  	v3 =	vand.u32 $0x7, v3  }
0xd8: {  	v3 =	vor.u32 v3, v4  }
0xd9: {  	v4 =	vperm.xlane v3, v0;
	_ =	sdelay $0x1  }
0xda: {  	v4 =	vadd.s32 v1, v4;
	_ =	sdelay $0x3  }
0xdb: {  	s0 =	simm.s32 $0x18100;
	v3 =	vperm.xlane v3, v2  }
0xdc: {  	[tilespmem:s0], [sflag:$0x5] =	stream.indirect_vreg.gather [hbm4b:s2+s3], $0x80, v4, vm0, $0xb8;
	[tilespmem:$0x1E100] =	vst v63  }
0xdd: {  	s15 =	rddreg [dreg:$0x19];
	v3 =	vadd.s32 v1, v3  }
0xde: {  	[tilespmem:s15], [sflag:$0x5] =	stream.indirect_vreg.gather [hbm4b:s6+s3], $0x80, v4, vm0, $0xb8;
	[tilespmem:$0x1E100] =	vst v63  }
0xdf: {  	s14 =	rddreg [dreg:$0x1a]  }
0xe0: {  	[tilespmem:s14], [sflag:$0x5] =	stream.indirect_vreg.gather [hbm4b:s7+s3], $0x80, v4, vm0, $0xb8;
	[tilespmem:$0x1E100] =	vst v63  }
0xe1: {  	s15 =	rddreg [dreg:$0x1b]  }
0xe2: {  	[tilespmem:s15], [sflag:$0x5] =	stream.indirect_vreg.gather [hbm4b:s2+s3], $0x80, v3, vm0, $0xb8;
	[tilespmem:$0x1E100] =	vst v63  }
0xe3: {  	s14 =	rddreg [dreg:$0x1c]  }
0xe4: {  	[tilespmem:s14], [sflag:$0x5] =	stream.indirect_vreg.gather [hbm4b:s6+s3], $0x80, v3, vm0, $0xb8;
	[tilespmem:$0x1E100] =	vst v63  }
0xe5: {  	s15 =	rddreg [dreg:$0x1d]  }
0xe6: {  	[tilespmem:s15], [sflag:$0x5] =	stream.indirect_vreg.gather [hbm4b:s7+s3], $0x80, v3, vm0, $0xb8;
	[tilespmem:$0x1E100] =	vst v63  }
0xe7: {  	v3 =	vld [tilespmem:$0x90];
	_ =	sdelay $0x4  }
0xe8: {  	v57 =	vshrl.u32 v3, $0x3  }
0xe9: {  	v4 =	vmul.u32 $0x30, v57  }
0xea: {  	v3 =	vand.u32 $0x7, v3  }
0xeb: {  	v3 =	vor.u32 v3, v4  }
0xec: {  	v4 =	vperm.xlane v3, v0;
	_ =	sdelay $0x1  }
0xed: {  	v4 =	vadd.s32 v1, v4;
	_ =	sdelay $0x2  }
0xee: {  	s13 =	sld [smem:$0x7FA]  }
0xef: {  	s14 =	rddreg [dreg:$0x1e];
	v3 =	vperm.xlane v3, v2  }
0xf0: {  	[tilespmem:s14], [sflag:$0x5] =	stream.indirect_vreg.gather [hbm4b:s2+s3], $0x80, v4, vm0, $0xb8;
	[tilespmem:$0x1E100] =	vst v63  }
0xf1: {  	s15 =	rddreg [dreg:$0x1f];
	v3 =	vadd.s32 v1, v3  }
0xf2: {  	[tilespmem:s15], [sflag:$0x5] =	stream.indirect_vreg.gather [hbm4b:s6+s3], $0x80, v4, vm0, $0xb8;
	[tilespmem:$0x1E100] =	vst v63  }
0xf3: {  	s15 =	sld [smem:$0x7FB]  }
0xf4: {  	[tilespmem:s13], [sflag:$0x5] =	stream.indirect_vreg.gather [hbm4b:s7+s3], $0x80, v4, vm0, $0xb8;
	[tilespmem:$0x1E100] =	vst v63  }
0xf5: {  	s13 =	sld [smem:$0x7FC]  }
0xf6: {  	[tilespmem:s15], [sflag:$0x5] =	stream.indirect_vreg.gather [hbm4b:s2+s3], $0x80, v3, vm0, $0xb8;
	[tilespmem:$0x1E100] =	vst v63  }
0xf7: {  	s15 =	sld [smem:$0x7FD]  }
0xf8: {  	[tilespmem:s13], [sflag:$0x5] =	stream.indirect_vreg.gather [hbm4b:s6+s3], $0x80, v3, vm0, $0xb8;
	[tilespmem:$0x1E100] =	vst v63  }
0xf9: {  	s14 =	simm.s32 $0x1  }
0xfa: {  	[tilespmem:s15], [sflag:$0x5] =	stream.indirect_vreg.gather [hbm4b:s7+s3], $0x80, v3, vm0, $0xb8;
	[tilespmem:$0x1E100] =	vst v63  }
0xfb: {  	_ =	swait.ge [sflag:s14], $0x6000  }
0xfc: {  	s15 =	sld [smem:$0x7F9]  }
0xfd: {  	[sflag:s14] =	ssyncset.done $0x0  }
0xfe: {  	[sflag:s14] =	ssyncadd.s32 $0xFFFFA000  }
0xff: {  	[hbm4b:s15+s3] =	stream.linear.scatter [tilespmem:s22], [sflag:$0x6], $0x6000, $0x38;
	[tilespmem:$0x1E100] =	vst v63  }
0x100: {  	_ =	swait.ge [sflag:s26], $0x6000  }
0x101: {  	[sflag:s26] =	ssyncset.done $0x0  }
0x102: {  	[sflag:s26] =	ssyncadd.s32 $0xFFFFA000  }
0x103: {  	v3 =	vld [tilespmem:$0xA0];
	_ =	sdelay $0x4  }
0x104: {  	v58 =	vshrl.u32 v3, $0x3  }
0x105: {  	v4 =	vmul.u32 $0x30, v58  }
0x106: {  	v3 =	vand.u32 $0x7, v3  }
0x107: {  	v3 =	vor.u32 v3, v4  }
0x108: {  	v4 =	vperm.xlane v3, v0;
	_ =	sdelay $0x1  }
0x109: {  	v4 =	vadd.s32 v1, v4;
	_ =	sdelay $0x3  }
0x10a: {  	v3 =	vperm.xlane v3, v2  }
0x10b: {  	[tilespmem:s22], [sflag:$0x1] =	stream.indirect_vreg.gather [hbm4b:s2+s3], $0x80, v4, vm0, $0xb8;
	[tilespmem:$0x1E100] =	vst v63  }
0x10c: {  	v3 =	vadd.s32 v1, v3  }
0x10d: {  	[tilespmem:s16], [sflag:$0x1] =	stream.indirect_vreg.gather [hbm4b:s6+s3], $0x80, v4, vm0, $0xb8;
	[tilespmem:$0x1E100] =	vst v63  }
0x10e: {  	_ = 	snop  }
0x10f: {  	[tilespmem:s17], [sflag:$0x1] =	stream.indirect_vreg.gather [hbm4b:s7+s3], $0x80, v4, vm0, $0xb8;
	[tilespmem:$0x1E100] =	vst v63  }
0x110: {  	_ = 	snop  }
0x111: {  	[tilespmem:s18], [sflag:$0x1] =	stream.indirect_vreg.gather [hbm4b:s2+s3], $0x80, v3, vm0, $0xb8;
	[tilespmem:$0x1E100] =	vst v63  }
0x112: {  	_ = 	snop  }
0x113: {  	[tilespmem:s19], [sflag:$0x1] =	stream.indirect_vreg.gather [hbm4b:s6+s3], $0x80, v3, vm0, $0xb8;
	[tilespmem:$0x1E100] =	vst v63  }
0x114: {  	_ = 	snop  }
0x115: {  	[tilespmem:s20], [sflag:$0x1] =	stream.indirect_vreg.gather [hbm4b:s7+s3], $0x80, v3, vm0, $0xb8;
	[tilespmem:$0x1E100] =	vst v63  }
0x116: {  	v3 =	vld [tilespmem:$0xB0];
	_ =	sdelay $0x4  }
0x117: {  	v59 =	vshrl.u32 v3, $0x3  }
0x118: {  	v4 =	vmul.u32 $0x30, v59  }
0x119: {  	v3 =	vand.u32 $0x7, v3  }
0x11a: {  	v3 =	vor.u32 v3, v4  }
0x11b: {  	v4 =	vperm.xlane v3, v0;
	_ =	sdelay $0x1  }
0x11c: {  	v4 =	vadd.s32 v1, v4;
	_ =	sdelay $0x3  }
0x11d: {  	v3 =	vperm.xlane v3, v2  }
0x11e: {  	[tilespmem:s21], [sflag:$0x1] =	stream.indirect_vreg.gather [hbm4b:s2+s3], $0x80, v4, vm0, $0xb8;
	[tilespmem:$0x1E100] =	vst v63  }
0x11f: {  	v3 =	vadd.s32 v1, v3  }
0x120: {  	[tilespmem:s23], [sflag:$0x1] =	stream.indirect_vreg.gather [hbm4b:s6+s3], $0x80, v4, vm0, $0xb8;
	[tilespmem:$0x1E100] =	vst v63  }
0x121: {  	_ = 	snop  }
0x122: {  	[tilespmem:s24], [sflag:$0x1] =	stream.indirect_vreg.gather [hbm4b:s7+s3], $0x80, v4, vm0, $0xb8;
	[tilespmem:$0x1E100] =	vst v63  }
0x123: {  	_ = 	snop  }
0x124: {  	[tilespmem:s25], [sflag:$0x1] =	stream.indirect_vreg.gather [hbm4b:s2+s3], $0x80, v3, vm0, $0xb8;
	[tilespmem:$0x1E100] =	vst v63  }
0x125: {  	_ = 	snop  }
0x126: {  	[tilespmem:s5], [sflag:$0x1] =	stream.indirect_vreg.gather [hbm4b:s6+s3], $0x80, v3, vm0, $0xb8;
	[tilespmem:$0x1E100] =	vst v63  }
0x127: {  	_ = 	snop  }
0x128: {  	[tilespmem:s4], [sflag:$0x1] =	stream.indirect_vreg.gather [hbm4b:s7+s3], $0x80, v3, vm0, $0xb8;
	[tilespmem:$0x1E100] =	vst v63  }
0x129: {  	_ =	swait.ge [sflag:s28], $0x6000  }
0x12a: {  	[sflag:s28] =	ssyncset.done $0x0  }
0x12b: {  	s4 =	rddreg [dreg:$0x6];
	[sflag:s28] =	ssyncadd.s32 $0xFFFFA000  }
0x12c: {  	[hbm4b:s4+s3] =	stream.linear.scatter [tilespmem:s11], [sflag:$0x7], $0x6000, $0x38;
	[tilespmem:$0x1E100] =	vst v63  }
0x12d: {  	_ =	swait.ge [sflag:s29], $0x6000  }
0x12e: {  	[sflag:s29] =	ssyncset.done $0x0  }
0x12f: {  	[sflag:s29] =	ssyncadd.s32 $0xFFFFA000  }
0x130: {  	v3 =	vld [tilespmem:$0xC0];
	_ =	sdelay $0x4  }
0x131: {  	v60 =	vshrl.u32 v3, $0x3  }
0x132: {  	v4 =	vmul.u32 $0x30, v60  }
0x133: {  	v3 =	vand.u32 $0x7, v3  }
0x134: {  	v3 =	vor.u32 v3, v4  }
0x135: {  	v4 =	vperm.xlane v3, v0;
	_ =	sdelay $0x1  }
0x136: {  	v4 =	vadd.s32 v1, v4;
	_ =	sdelay $0x3  }
0x137: {  	v3 =	vperm.xlane v3, v2  }
0x138: {  	[tilespmem:s11], [sflag:$0x2] =	stream.indirect_vreg.gather [hbm4b:s2+s3], $0x80, v4, vm0, $0xb8;
	[tilespmem:$0x1E100] =	vst v63  }
0x139: {  	s13 =	simm.s32 $0x6900;
	v3 =	vadd.s32 v1, v3  }
0x13a: {  	[tilespmem:s13], [sflag:$0x2] =	stream.indirect_vreg.gather [hbm4b:s6+s3], $0x80, v4, vm0, $0xb8;
	[tilespmem:$0x1E100] =	vst v63  }
0x13b: {  	_ = 	snop  }
0x13c: {  	[tilespmem:s12], [sflag:$0x2] =	stream.indirect_vreg.gather [hbm4b:s7+s3], $0x80, v4, vm0, $0xb8;
	[tilespmem:$0x1E100] =	vst v63  }
0x13d: {  	_ = 	snop  }
0x13e: {  	[tilespmem:s10], [sflag:$0x2] =	stream.indirect_vreg.gather [hbm4b:s2+s3], $0x80, v3, vm0, $0xb8;
	[tilespmem:$0x1E100] =	vst v63  }
0x13f: {  	s15 =	simm.s32 $0x8100  }
0x140: {  	[tilespmem:s15], [sflag:$0x2] =	stream.indirect_vreg.gather [hbm4b:s6+s3], $0x80, v3, vm0, $0xb8;
	[tilespmem:$0x1E100] =	vst v63  }
0x141: {  	_ = 	snop  }
0x142: {  	[tilespmem:s9], [sflag:$0x2] =	stream.indirect_vreg.gather [hbm4b:s7+s3], $0x80, v3, vm0, $0xb8;
	[tilespmem:$0x1E100] =	vst v63  }
0x143: {  	v3 =	vld [tilespmem:$0xD0];
	_ =	sdelay $0x4  }
0x144: {  	v61 =	vshrl.u32 v3, $0x3  }
0x145: {  	v4 =	vmul.u32 $0x30, v61  }
0x146: {  	v3 =	vand.u32 $0x7, v3  }
0x147: {  	v3 =	vor.u32 v3, v4  }
0x148: {  	v4 =	vperm.xlane v3, v0;
	_ =	sdelay $0x1  }
0x149: {  	v4 =	vadd.s32 v1, v4;
	_ =	sdelay $0x3  }
0x14a: {  	s13 =	simm.s32 $0x9100;
	v3 =	vperm.xlane v3, v2  }
0x14b: {  	[tilespmem:s13], [sflag:$0x2] =	stream.indirect_vreg.gather [hbm4b:s2+s3], $0x80, v4, vm0, $0xb8;
	[tilespmem:$0x1E100] =	vst v63  }
0x14c: {  	s15 =	simm.s32 $0x9900;
	v3 =	vadd.s32 v1, v3  }
0x14d: {  	[tilespmem:s15], [sflag:$0x2] =	stream.indirect_vreg.gather [hbm4b:s6+s3], $0x80, v4, vm0, $0xb8;
	[tilespmem:$0x1E100] =	vst v63  }
0x14e: {  	s13 =	simm.s32 $0xA100  }
0x14f: {  	[tilespmem:s13], [sflag:$0x2] =	stream.indirect_vreg.gather [hbm4b:s7+s3], $0x80, v4, vm0, $0xb8;
	[tilespmem:$0x1E100] =	vst v63  }
0x150: {  	s15 =	simm.s32 $0xA900  }
0x151: {  	[tilespmem:s15], [sflag:$0x2] =	stream.indirect_vreg.gather [hbm4b:s2+s3], $0x80, v3, vm0, $0xb8;
	[tilespmem:$0x1E100] =	vst v63  }
0x152: {  	s13 =	simm.s32 $0xB100  }
0x153: {  	[tilespmem:s13], [sflag:$0x2] =	stream.indirect_vreg.gather [hbm4b:s6+s3], $0x80, v3, vm0, $0xb8;
	[tilespmem:$0x1E100] =	vst v63  }
0x154: {  	s15 =	simm.s32 $0xB900  }
0x155: {  	[tilespmem:s15], [sflag:$0x2] =	stream.indirect_vreg.gather [hbm4b:s7+s3], $0x80, v3, vm0, $0xb8;
	[tilespmem:$0x1E100] =	vst v63  }
0x156: {  	_ =	swait.ge [sflag:s30], $0x6000  }
0x157: {  	[sflag:s30] =	ssyncset.done $0x0  }
0x158: {  	s4 =	rddreg [dreg:$0x7];
	[sflag:s30] =	ssyncadd.s32 $0xFFFFA000  }
0x159: {  	[hbm4b:s4+s3] =	stream.linear.scatter [tilespmem:s1], [sflag:$0x8], $0x6000, $0x38;
	[tilespmem:$0x1E100] =	vst v63  }
0x15a: {  	_ =	swait.ge [sflag:s31], $0x6000  }
0x15b: {  	[sflag:s31] =	ssyncset.done $0x0  }
0x15c: {  	[sflag:s31] =	ssyncadd.s32 $0xFFFFA000  }
0x15d: {  	v3 =	vld [tilespmem:$0xE0];
	_ =	sdelay $0x4  }
0x15e: {  	v62 =	vshrl.u32 v3, $0x3  }
0x15f: {  	v4 =	vmul.u32 $0x30, v62  }
0x160: {  	v3 =	vand.u32 $0x7, v3  }
0x161: {  	v3 =	vor.u32 v3, v4  }
0x162: {  	v4 =	vperm.xlane v3, v0;
	_ =	sdelay $0x1  }
0x163: {  	v4 =	vadd.s32 v1, v4;
	_ =	sdelay $0x3  }
0x164: {  	v3 =	vperm.xlane v3, v2  }
0x165: {  	[tilespmem:s1], [sflag:$0x3] =	stream.indirect_vreg.gather [hbm4b:s2+s3], $0x80, v4, vm0, $0xb8;
	[tilespmem:$0x1E100] =	vst v63  }
0x166: {  	s13 =	simm.s32 $0xC900;
	v3 =	vadd.s32 v1, v3  }
0x167: {  	[tilespmem:s13], [sflag:$0x3] =	stream.indirect_vreg.gather [hbm4b:s6+s3], $0x80, v4, vm0, $0xb8;
	[tilespmem:$0x1E100] =	vst v63  }
0x168: {  	s15 =	simm.s32 $0xD100  }
0x169: {  	[tilespmem:s15], [sflag:$0x3] =	stream.indirect_vreg.gather [hbm4b:s7+s3], $0x80, v4, vm0, $0xb8;
	[tilespmem:$0x1E100] =	vst v63  }
0x16a: {  	s13 =	simm.s32 $0xD900  }
0x16b: {  	[tilespmem:s13], [sflag:$0x3] =	stream.indirect_vreg.gather [hbm4b:s2+s3], $0x80, v3, vm0, $0xb8;
	[tilespmem:$0x1E100] =	vst v63  }
0x16c: {  	s15 =	simm.s32 $0xE100  }
0x16d: {  	[tilespmem:s15], [sflag:$0x3] =	stream.indirect_vreg.gather [hbm4b:s6+s3], $0x80, v3, vm0, $0xb8;
	[tilespmem:$0x1E100] =	vst v63  }
0x16e: {  	s13 =	simm.s32 $0xE900  }
0x16f: {  	[tilespmem:s13], [sflag:$0x3] =	stream.indirect_vreg.gather [hbm4b:s7+s3], $0x80, v3, vm0, $0xb8;
	[tilespmem:$0x1E100] =	vst v63  }
0x170: {  	v3 =	vld [tilespmem:$0xF0];
	_ =	sdelay $0x4  }
0x171: {  	v63 =	vshrl.u32 v3, $0x3  }
0x172: {  	v4 =	vmul.u32 $0x30, v63  }
0x173: {  	v3 =	vand.u32 $0x7, v3  }
0x174: {  	v3 =	vor.u32 v3, v4  }
0x175: {  	v4 =	vperm.xlane v3, v0;
	_ =	sdelay $0x1  }
0x176: {  	v4 =	vadd.s32 v1, v4;
	_ =	sdelay $0x3  }
0x177: {  	s15 =	simm.s32 $0xF100;
	v3 =	vperm.xlane v3, v2  }
0x178: {  	[tilespmem:s15], [sflag:$0x3] =	stream.indirect_vreg.gather [hbm4b:s2+s3], $0x80, v4, vm0, $0xb8;
	[tilespmem:$0x1E100] =	vst v63  }
0x179: {  	s13 =	simm.s32 $0xF900;
	v3 =	vadd.s32 v1, v3  }
0x17a: {  	[tilespmem:s13], [sflag:$0x3] =	stream.indirect_vreg.gather [hbm4b:s6+s3], $0x80, v4, vm0, $0xb8;
	[tilespmem:$0x1E100] =	vst v63  }
0x17b: {  	s15 =	simm.s32 $0x10100  }
0x17c: {  	[tilespmem:s15], [sflag:$0x3] =	stream.indirect_vreg.gather [hbm4b:s7+s3], $0x80, v4, vm0, $0xb8;
	[tilespmem:$0x1E100] =	vst v63  }
0x17d: {  	s13 =	simm.s32 $0x10900  }
0x17e: {  	[tilespmem:s13], [sflag:$0x3] =	stream.indirect_vreg.gather [hbm4b:s2+s3], $0x80, v3, vm0, $0xb8;
	[tilespmem:$0x1E100] =	vst v63  }
0x17f: {  	s15 =	simm.s32 $0x11100  }
0x180: {  	[tilespmem:s15], [sflag:$0x3] =	stream.indirect_vreg.gather [hbm4b:s6+s3], $0x80, v3, vm0, $0xb8;
	[tilespmem:$0x1E100] =	vst v63  }
0x181: {  	s13 =	simm.s32 $0x11900;
	s15 =	simm.s32 $0x4  }
0x182: {  	[tilespmem:s13], [sflag:$0x3] =	stream.indirect_vreg.gather [hbm4b:s7+s3], $0x80, v3, vm0, $0xb8;
	[tilespmem:$0x1E100] =	vst v63  }
0x183: {  	_ =	swait.ge [sflag:s15], $0x6000  }
0x184: {  	[sflag:s15] =	ssyncset.done $0x0  }
0x185: {  	s13 =	rddreg [dreg:$0x8];
	[sflag:s15] =	ssyncadd.s32 $0xFFFFA000;
	s15 =	simm.s32 $0x12100  }
0x186: {  	[hbm4b:s13+s3] =	stream.linear.scatter [tilespmem:s15], [sflag:$0x9], $0x6000, $0x38;
	[tilespmem:$0x1E100] =	vst v63  }
0x187: {  	s13 =	simm.s32 $0x5  }
0x188: {  	_ =	swait.ge [sflag:s13], $0x6000  }
0x189: {  	[sflag:s13] =	ssyncset.done $0x0  }
0x18a: {  	s15 =	rddreg [dreg:$0x9];
	[sflag:s13] =	ssyncadd.s32 $0xFFFFA000  }
0x18b: {  	[hbm4b:s15+s3] =	stream.linear.scatter [tilespmem:s0], [sflag:$0xA], $0x6000, $0x38;
	[tilespmem:$0x1E100] =	vst v63  }
0x18c: {  	_ =	swait.ge [sflag:s14], $0x6000  }
0x18d: {  	[sflag:s14] =	ssyncset.done $0x0  }
0x18e: {  	s15 =	rddreg [dreg:$0xa];
	[sflag:s14] =	ssyncadd.s32 $0xFFFFA000  }
0x18f: {  	[hbm4b:s15+s3] =	stream.linear.scatter [tilespmem:s22], [sflag:$0x6], $0x6000, $0x38;
	[tilespmem:$0x1E100] =	vst v63  }
0x190: {  	_ =	swait.ge [sflag:s28], $0x6000  }
0x191: {  	[sflag:s28] =	ssyncset.done $0x0  }
0x192: {  	s0 =	rddreg [dreg:$0xb];
	[sflag:s28] =	ssyncadd.s32 $0xFFFFA000  }
0x193: {  	[hbm4b:s0+s3] =	stream.linear.scatter [tilespmem:s11], [sflag:$0x7], $0x6000, $0x38;
	[tilespmem:$0x1E100] =	vst v63  }
0x194: {  	_ =	swait.ge [sflag:s30], $0x6000  }
0x195: {  	[sflag:s30] =	ssyncset.done $0x0  }
0x196: {  	s14 =	simm.s32 $0x9;
	s4 =	rddreg [dreg:$0xc];
	[sflag:s30] =	ssyncadd.s32 $0xFFFFA000  }
0x197: {  	[hbm4b:s4+s3] =	stream.linear.scatter [tilespmem:s1], [sflag:$0x8], $0x6000, $0x38;
	[tilespmem:$0x1E100] =	vst v63  }
0x198: {  	_ =	swait.ge [sflag:s14], $0x6000  }
0x199: {  	[sflag:s14] =	ssyncset.done $0x0  }
0x19a: {  	s15 =	simm.s32 $0xA;
	[sflag:s14] =	ssyncadd.s32 $0xFFFFA000  }
0x19b: {  	_ =	swait.ge [sflag:s15], $0x6000  }
0x19c: {  	[sflag:s15] =	ssyncset.done $0x0  }
0x19d: {  	[sflag:s15] =	ssyncadd.s32 $0xFFFFA000  }
0x19e: {  	_ =	swait.ge [sflag:s26], $0x6000  }
0x19f: {  	[sflag:s26] =	ssyncset.done $0x0  }
0x1a0: {  	[sflag:s26] =	ssyncadd.s32 $0xFFFFA000  }
0x1a1: {  	p0 =	sne.s32 s8, $0x1;
	_ =	swait.ge [sflag:s29], $0x6000  }
.Ltmp0:
0x1a2: {  	[sflag:s29] =	ssyncset.done $0x0;
	(pc) =	sbr.rel @p0 .LBB2_1-.Ltmp0, $4  }
0x1a3: {  	[sflag:s29] =	ssyncadd.s32 $0xFFFFA000  }
0x1a4: {  	_ =	swait.ge [sflag:s31], $0x6000  }
0x1a5: {  	[sflag:s31] =	ssyncset.done $0x0  }
0x1a6: {  	s8 =	sadd.s32 $0xFFFFFFFF, s8;
	[sflag:s31] =	ssyncadd.s32 $0xFFFFA000  }
0x1a7: {  	_ =	sfence.sel $0x180000  }
0x1a8: {  	[bflag:$0x0] =	sbarrier.arrive $0xFFFF  }
0x1a9: {  	_ =	strace $0x90000047  }
0x1aa: {  	s0 =	stileid.u32;
	[bflag:$0x2] =	sbarrier.arrive $0xFFFF  }
0x1ab: {  	p0 =	sne.s32 s0, $0x0;
	s0 =	rddreg [dreg:$0x3]  }
0x1ac: {  	s0 =	sadd.s32 @!p0 $0x100000, s0  }
0x1ad: {  	[sflag:s0] =	ssyncadd.tile.s32 @!p0 $0x1;
	_ =	shalt  }
.Lfunc_end2:
_tile_overlayer_lowered:
.L_overlay_start_2:
0x1ae: {  	(tag) =	ssettag $0x2  }
0x1af: {  	s0 =	rddreg [dreg:$0x0];
	s2 =	stileid.u32  }
0x1b0: {  	s1 =	rddreg [dreg:$0x1];
	p0 =	sne.s32 s2, $0x0  }
0x1b1: {  	s3 =	rddreg [dreg:$0x2];
	[bflag:$0x3] =	sbarrier.arrive $0xFFFF;
	s2 =	simm.s32 @!p0 $0x1C0B  }
0x1b2: {  	[timem:s3], [sflag:s2] =	dma.local @!p0 [hbm:s0], s1  }
0x1b3: {  	s0 =	simm.s32 @!p0 $0xB  }
0x1b4: {  	_ =	swait.ge @!p0 [sflag:s0], s1  }
0x1b5: {  	s1 =	ssub.s32 @!p0 $0x0, s1;
	[sflag:s0] =	ssyncset.done @!p0 $0x0  }
0x1b6: {  	[sflag:s0] =	ssyncadd.s32 @!p0 s1  }
0x1b7: {  	[bflag:$0x3] =	sbarrier.arrive $0xFFFF  }
0x1b8: {  	_ =	shalt  }

</sc_bundles>
